<compile_context>
chip_gen: v7x
topology: tpu7x:2x2x1
jax: 0.10.2.dev20260603
libtpu: 0.0.44.dev20260713+nightly
codegen_flags: <defaults>
</compile_context>

<pallas_src>
import functools

import jax
import jax.numpy as jnp
from jax import lax
from jax.experimental import pallas as pl
from jax.experimental.pallas import tpu as pltpu
import jax.experimental.pallas.tpu_sc as plsc

N_NODES = 10000
N_EDGES = 320000
D = 128
L = 16
NC, NS = 2, 16
NW = NC * NS
EPW = N_EDGES // NW
B = 40
NB = EPW // B
S = 4

_MESH = dict(core_axis_name="c", subcore_axis_name="s", num_cores=NC,
             num_subcores=NS)


def _scores_body(emb_ref, w2_ref, out_ref):
    out_ref[...] = lax.dot_general(
        w2_ref[...], emb_ref[...], (((1,), (1,)), ((), ())),
        preferred_element_type=jnp.float32)


def _node_scores(emb, w2):
    return pl.pallas_call(
        _scores_body,
        out_shape=jax.ShapeDtypeStruct((2, N_NODES), jnp.float32),
    )(emb, w2)


def _logits_body(s_hbm, t_hbm, src_hbm, dst_hbm, out_hbm,
                 s_v, t_v, src_v, dst_v, lg_v):
    wid = lax.axis_index("s") * NC + lax.axis_index("c")
    base = wid * EPW
    pltpu.sync_copy(s_hbm, s_v)
    pltpu.sync_copy(t_hbm, t_v)
    pltpu.sync_copy(src_hbm.at[pl.ds(base, EPW)], src_v)
    pltpu.sync_copy(dst_hbm.at[pl.ds(base, EPW)], dst_v)

    @plsc.parallel_loop(0, EPW // L, step=1, unroll=4)
    def _(i):
        o = i * L
        is_ = src_v[pl.ds(o, L)]
        id_ = dst_v[pl.ds(o, L)]
        sv = plsc.load_gather(s_v, [is_])
        tv = plsc.load_gather(t_v, [id_])
        lg_v[pl.ds(o, L)] = sv + tv
    pltpu.sync_copy(lg_v, out_hbm.at[pl.ds(base, EPW)])


def _edge_logits(s, t, src, dst):
    k = functools.partial(
        pl.kernel,
        out_type=jax.ShapeDtypeStruct((N_EDGES,), jnp.float32),
        mesh=plsc.VectorSubcoreMesh(**_MESH),
        compiler_params=pltpu.CompilerParams(needs_layout_passes=False),
        scratch_types=[
            pltpu.VMEM((N_NODES,), jnp.float32),
            pltpu.VMEM((N_NODES,), jnp.float32),
            pltpu.VMEM((EPW,), jnp.int32),
            pltpu.VMEM((EPW,), jnp.int32),
            pltpu.VMEM((EPW,), jnp.float32),
        ],
    )(_logits_body)
    return k(s, t, src, dst)


def _softmax_body(x_ref, o_ref):
    x = x_ref[...]
    m = jnp.max(x)
    e = jnp.exp(x - m)
    o_ref[...] = e / jnp.sum(e)


def _softmax(logits2d):
    return pl.pallas_call(
        _softmax_body,
        out_shape=jax.ShapeDtypeStruct(logits2d.shape, jnp.float32),
    )(logits2d)


def _scale_body(emb_hbm, src_hbm, dst_hbm, w_hbm, out_hbm,
                si, di, wq, rs, rd, sh_emb, gsem, osem, isem):
    wid = lax.axis_index("s") * NC + lax.axis_index("c")
    base = wid * EPW
    @pl.when(lax.axis_index("s") == 0)
    def _():
        pltpu.sync_copy(emb_hbm, sh_emb)

    plsc.subcore_barrier()

    def i_copies(k, s):
        return (
            pltpu.make_async_copy(
                src_hbm.at[pl.ds(base + k * B, B)], si.at[s], isem.at[s]),
            pltpu.make_async_copy(
                dst_hbm.at[pl.ds(base + k * B, B)], di.at[s], isem.at[s]),
            pltpu.make_async_copy(
                w_hbm.at[pl.ds(base + k * B, B)], wq.at[s], isem.at[s]),
        )

    def g_copies(k, s):
        return (
            pltpu.make_async_copy(
                sh_emb.at[si.at[s]], rs.at[s], gsem.at[s]),
            pltpu.make_async_copy(
                sh_emb.at[di.at[s]], rd.at[s], gsem.at[s]),
        )

    def o_copies(k, s):
        return (
            pltpu.make_async_copy(
                rs.at[s],
                out_hbm.at[pl.ds(base + k * B, B), pl.ds(0, D)],
                osem.at[s]),
            pltpu.make_async_copy(
                rd.at[s],
                out_hbm.at[pl.ds(base + k * B, B), pl.ds(D, D)],
                osem.at[s]),
        )

    def start(copies):
        for c in copies:
            c.start()

    def wait(copies):
        for c in copies:
            c.wait()

    def compute(s):
        @plsc.parallel_loop(0, B, step=1, unroll=4)
        def _(e):
            wb = plsc.load_gather(wq.at[s], [jnp.full((L,), e, jnp.int32)])
            for f in range(D // L):
                rs[s, e, pl.ds(f * L, L)] = rs[s, e, pl.ds(f * L, L)] * wb
                rd[s, e, pl.ds(f * L, L)] = rd[s, e, pl.ds(f * L, L)] * wb

    for j in range(S):
        start(i_copies(j, j))
    wait(i_copies(0, 0))
    start(g_copies(0, 0))
    wait(i_copies(1, 1))
    start(g_copies(1, 1))

    def body(k, carry):
        s = lax.rem(k, S)
        s2 = lax.rem(k + 2, S)

        @pl.when(k >= 2)
        def _():
            wait(o_copies(k - 2, s2))

        @pl.when(k + 2 < NB)
        def _():
            wait(i_copies(k + 2, s2))
            start(g_copies(k + 2, s2))

        wait(g_copies(k, s))
        compute(s)

        @pl.when(k + S < NB)
        def _():
            start(i_copies(k + S, s))

        start(o_copies(k, s))
        return carry

    lax.fori_loop(0, NB, body, 0)
    wait(o_copies(NB - 2, (NB - 2) % S))
    wait(o_copies(NB - 1, (NB - 1) % S))


def _gather_scale(emb, src, dst, w):
    k = functools.partial(
        pl.kernel,
        out_type=jax.ShapeDtypeStruct((N_EDGES, 2 * D), jnp.float32),
        mesh=plsc.VectorSubcoreMesh(**_MESH),
        compiler_params=pltpu.CompilerParams(needs_layout_passes=False),
        scratch_types=[
            pltpu.VMEM((S, B), jnp.int32),
            pltpu.VMEM((S, B), jnp.int32),
            pltpu.VMEM((S, B), jnp.float32),
            pltpu.VMEM((S, B, D), jnp.float32),
            pltpu.VMEM((S, B, D), jnp.float32),
            pltpu.VMEM_SHARED((N_NODES, D), jnp.float32),
            pltpu.SemaphoreType.DMA((S,)),
            pltpu.SemaphoreType.DMA((S,)),
            pltpu.SemaphoreType.DMA((S,)),
        ],
    )(_scale_body)
    return k(emb, src, dst, w)


def kernel(node_embeddings, edge_index, attn_w, attn_b):
    emb = node_embeddings.astype(jnp.float32)
    src = edge_index[0].astype(jnp.int32)
    dst = edge_index[1].astype(jnp.int32)
    w2 = attn_w.reshape(2, D)
    st = _node_scores(emb, w2)
    logits = _edge_logits(st[0], st[1], src, dst)
    w = _softmax(logits.reshape(N_EDGES // D, D)).reshape(N_EDGES)
    return _gather_scale(emb, src, dst, w)

# --- scband reference (transcript-rebuilt; emitter-appended) ---
"""Pipeline reference for scband-attention-edge-emb-34256659153219 (READ-ONLY COPY).

The authoritative reference and input builder live on the scoring server;
editing this copy changes nothing except your own understanding.
"""

import jax, jax.numpy as jnp
import numpy as np

N_NODES = 10000
N_EDGES = 320000
D = 128

def setup_inputs(seed: int = 0) -> dict:
    key = jax.random.key(seed)
    k1, k2, k3, k4 = jax.random.split(key, 4)
    node_embeddings = jax.random.normal(k1, (N_NODES, D), dtype=jnp.float32)
    edge_index = jax.random.randint(k2, (2, N_EDGES), 0, N_NODES, dtype=jnp.int64)
    # nn.Linear(2*in_channels, 1): weight [1, 2D], bias [1]
    bound = 1.0 / np.sqrt(2 * D)
    attn_w = jax.random.uniform(k3, (1, 2 * D), dtype=jnp.float32, minval=-bound, maxval=bound)
    attn_b = jax.random.uniform(k4, (1,), dtype=jnp.float32, minval=-bound, maxval=bound)
    return {"node_embeddings": node_embeddings, "edge_index": edge_index, "attn_w": attn_w, "attn_b": attn_b}

def reference(node_embeddings, edge_index, attn_w, attn_b):
    source_node_emb = jnp.take(node_embeddings, edge_index[0], axis=0)
    target_node_emb = jnp.take(node_embeddings, edge_index[1], axis=0)
    edge_emb = jnp.concatenate([source_node_emb, target_node_emb], axis=-1)
    logits = edge_emb @ attn_w.T + attn_b  # [E, 1]
    attn_weights = jax.nn.softmax(logits, axis=0)
    return attn_weights * edge_emb

if __name__ == "__main__":
    import jax
    _d = setup_inputs()
    print(jax.jit(kernel)(*tuple(_d.values())))

</pallas_src>

<mosaic_0001>
#map = affine_map<(d0, d1) -> (0, 0)>
#map1 = affine_map<(d0, d1) -> (0)>
module attributes {stable_mosaic.version = 14 : i64} {
  func.func @_scale_body(%arg0: i32, %arg1: i32, %arg2: memref<10000x128xf32, #tpu.memory_space<hbm>>, %arg3: memref<320000xi32, #tpu.memory_space<hbm>>, %arg4: memref<320000xi32, #tpu.memory_space<hbm>>, %arg5: memref<320000xf32, #tpu.memory_space<hbm>>, %arg6: memref<320000x256xf32, #tpu.memory_space<hbm>>, %arg7: memref<4x40xi32, #tpu.memory_space<vmem>>, %arg8: memref<4x40xi32, #tpu.memory_space<vmem>>, %arg9: memref<4x40xf32, #tpu.memory_space<vmem>>, %arg10: memref<4x40x128xf32, #tpu.memory_space<vmem>>, %arg11: memref<4x40x128xf32, #tpu.memory_space<vmem>>, %arg12: memref<10000x128xf32, #tpu.memory_space<vmem_shared>>, %arg13: memref<4x!tpu.dma_semaphore, #tpu.memory_space<semaphore_mem>>, %arg14: memref<4x!tpu.dma_semaphore, #tpu.memory_space<semaphore_mem>>, %arg15: memref<4x!tpu.dma_semaphore, #tpu.memory_space<semaphore_mem>>) attributes {dimension_semantics = [#tpu.dimension_semantics<core_parallel>, #tpu.dimension_semantics<subcore_parallel>], iteration_bounds = array<i64: 2, 16>, scalar_prefetch = 0 : i64, scratch_operands = 9 : i64, tpu.core_type = #tpu.core_type<sc_vector_subcore>, window_params = [{transform_indices = #map}, {transform_indices = #map1}, {transform_indices = #map1}, {transform_indices = #map1}, {transform_indices = #map}]} {
    %mul3A = arith.constant 2 : i32
    %mul3A_0 = arith.muli %arg1, %mul3A : i32
    %add3A = arith.addi %mul3A_0, %arg0 : i32
    %mul3A_1 = arith.constant 10000 : i32
    %mul3A_2 = arith.muli %add3A, %mul3A_1 : i32
    %eq3A = arith.constant 0 : i32
    %eq3A_3 = arith.cmpi eq, %arg1, %eq3A : i32
    %convert_element_type3A = arith.extui %eq3A_3 : i1 to i32
    %cond3A = arith.constant 0 : i32
    %cond3A_4 = arith.cmpi ne, %convert_element_type3A, %cond3A : i32
    scf.if %cond3A_4 {
      "tpu.region"() ({
        %run_scoped3A = tpu.sem_alloc : memref<!tpu.dma_semaphore, #tpu.memory_space<semaphore_mem>>
        tpu.enqueue_dma source(%arg2 : memref<10000x128xf32, #tpu.memory_space<hbm>>) target(%arg12 : memref<10000x128xf32, #tpu.memory_space<vmem_shared>>) target_semaphore(%run_scoped3A : memref<!tpu.dma_semaphore, #tpu.memory_space<semaphore_mem>>)
        tpu.wait_dma2 semaphore(%run_scoped3A : memref<!tpu.dma_semaphore, #tpu.memory_space<semaphore_mem>>) src(%arg2 : memref<10000x128xf32, #tpu.memory_space<hbm>>) dst(%arg12 : memref<10000x128xf32, #tpu.memory_space<vmem_shared>>)
        tpu.yield
      }) : () -> ()
    } else {
    }
    %barrier3A = arith.constant 0 : index
    tpu.barrier barrier_id(%barrier3A)
    %add3A_5 = arith.constant 0 : i32
    %add3A_6 = arith.addi %mul3A_2, %add3A_5 : i32
    %add3A_7 = arith.constant 0 : i32
    %add3A_8 = arith.addi %mul3A_2, %add3A_7 : i32
    %add3A_9 = arith.constant 0 : i32
    %add3A_10 = arith.addi %mul3A_2, %add3A_9 : i32
    %dma_start3A = arith.constant 0 : i32
    %dma_start3A_11 = arith.constant 0 : i32
    %dma_start3A_12 = arith.constant 0 : i32
    %dma_start3A_13 = tpu.memref_slice %arg7[%dma_start3A, %dma_start3A_12] : memref<4x40xi32, #tpu.memory_space<vmem>> -> memref<1x40xi32, #tpu.memory_space<vmem>>
    %dma_start3A_14 = tpu.memref_squeeze %dma_start3A_13 : memref<1x40xi32, #tpu.memory_space<vmem>> -> memref<40xi32, #tpu.memory_space<vmem>>
    %dma_start3A_15 = tpu.memref_slice %arg3[%add3A_6] : memref<320000xi32, #tpu.memory_space<hbm>> -> memref<40xi32, #tpu.memory_space<hbm>>
    %dma_start3A_16 = tpu.memref_slice %arg15[%dma_start3A_11] : memref<4x!tpu.dma_semaphore, #tpu.memory_space<semaphore_mem>> -> memref<1x!tpu.dma_semaphore, #tpu.memory_space<semaphore_mem>>
    %dma_start3A_17 = tpu.memref_squeeze %dma_start3A_16 : memref<1x!tpu.dma_semaphore, #tpu.memory_space<semaphore_mem>> -> memref<!tpu.dma_semaphore, #tpu.memory_space<semaphore_mem>>
    %dma_start3A_18 = arith.constant 0 : i32
    %dma_start3A_19 = tpu.memref_slice %arg7[%dma_start3A, %dma_start3A_18] : memref<4x40xi32, #tpu.memory_space<vmem>> -> memref<1x40xi32, #tpu.memory_space<vmem>>
    %dma_start3A_20 = tpu.memref_squeeze %dma_start3A_19 : memref<1x40xi32, #tpu.memory_space<vmem>> -> memref<40xi32, #tpu.memory_space<vmem>>
    %dma_start3A_21 = tpu.memref_slice %arg3[%add3A_6] : memref<320000xi32, #tpu.memory_space<hbm>> -> memref<40xi32, #tpu.memory_space<hbm>>
    tpu.enqueue_dma source(%dma_start3A_21 : memref<40xi32, #tpu.memory_space<hbm>>) target(%dma_start3A_20 : memref<40xi32, #tpu.memory_space<vmem>>) target_semaphore(%dma_start3A_17 : memref<!tpu.dma_semaphore, #tpu.memory_space<semaphore_mem>>)
    %dma_start3A_22 = arith.constant 0 : i32
    %dma_start3A_23 = arith.constant 0 : i32
    %dma_start3A_24 = arith.constant 0 : i32
    %dma_start3A_25 = tpu.memref_slice %arg8[%dma_start3A_22, %dma_start3A_24] : memref<4x40xi32, #tpu.memory_space<vmem>> -> memref<1x40xi32, #tpu.memory_space<vmem>>
    %dma_start3A_26 = tpu.memref_squeeze %dma_start3A_25 : memref<1x40xi32, #tpu.memory_space<vmem>> -> memref<40xi32, #tpu.memory_space<vmem>>
    %dma_start3A_27 = tpu.memref_slice %arg4[%add3A_8] : memref<320000xi32, #tpu.memory_space<hbm>> -> memref<40xi32, #tpu.memory_space<hbm>>
    %dma_start3A_28 = tpu.memref_slice %arg15[%dma_start3A_23] : memref<4x!tpu.dma_semaphore, #tpu.memory_space<semaphore_mem>> -> memref<1x!tpu.dma_semaphore, #tpu.memory_space<semaphore_mem>>
    %dma_start3A_29 = tpu.memref_squeeze %dma_start3A_28 : memref<1x!tpu.dma_semaphore, #tpu.memory_space<semaphore_mem>> -> memref<!tpu.dma_semaphore, #tpu.memory_space<semaphore_mem>>
    %dma_start3A_30 = arith.constant 0 : i32
    %dma_start3A_31 = tpu.memref_slice %arg8[%dma_start3A_22, %dma_start3A_30] : memref<4x40xi32, #tpu.memory_space<vmem>> -> memref<1x40xi32, #tpu.memory_space<vmem>>
    %dma_start3A_32 = tpu.memref_squeeze %dma_start3A_31 : memref<1x40xi32, #tpu.memory_space<vmem>> -> memref<40xi32, #tpu.memory_space<vmem>>
    %dma_start3A_33 = tpu.memref_slice %arg4[%add3A_8] : memref<320000xi32, #tpu.memory_space<hbm>> -> memref<40xi32, #tpu.memory_space<hbm>>
    tpu.enqueue_dma source(%dma_start3A_33 : memref<40xi32, #tpu.memory_space<hbm>>) target(%dma_start3A_32 : memref<40xi32, #tpu.memory_space<vmem>>) target_semaphore(%dma_start3A_29 : memref<!tpu.dma_semaphore, #tpu.memory_space<semaphore_mem>>)
    %dma_start3A_34 = arith.constant 0 : i32
    %dma_start3A_35 = arith.constant 0 : i32
    %dma_start3A_36 = arith.constant 0 : i32
    %dma_start3A_37 = tpu.memref_slice %arg9[%dma_start3A_34, %dma_start3A_36] : memref<4x40xf32, #tpu.memory_space<vmem>> -> memref<1x40xf32, #tpu.memory_space<vmem>>
    %dma_start3A_38 = tpu.memref_squeeze %dma_start3A_37 : memref<1x40xf32, #tpu.memory_space<vmem>> -> memref<40xf32, #tpu.memory_space<vmem>>
    %dma_start3A_39 = tpu.memref_slice %arg5[%add3A_10] : memref<320000xf32, #tpu.memory_space<hbm>> -> memref<40xf32, #tpu.memory_space<hbm>>
    %dma_start3A_40 = tpu.memref_slice %arg15[%dma_start3A_35] : memref<4x!tpu.dma_semaphore, #tpu.memory_space<semaphore_mem>> -> memref<1x!tpu.dma_semaphore, #tpu.memory_space<semaphore_mem>>
    %dma_start3A_41 = tpu.memref_squeeze %dma_start3A_40 : memref<1x!tpu.dma_semaphore, #tpu.memory_space<semaphore_mem>> -> memref<!tpu.dma_semaphore, #tpu.memory_space<semaphore_mem>>
    %dma_start3A_42 = arith.constant 0 : i32
    %dma_start3A_43 = tpu.memref_slice %arg9[%dma_start3A_34, %dma_start3A_42] : memref<4x40xf32, #tpu.memory_space<vmem>> -> memref<1x40xf32, #tpu.memory_space<vmem>>
    %dma_start3A_44 = tpu.memref_squeeze %dma_start3A_43 : memref<1x40xf32, #tpu.memory_space<vmem>> -> memref<40xf32, #tpu.memory_space<vmem>>
    %dma_start3A_45 = tpu.memref_slice %arg5[%add3A_10] : memref<320000xf32, #tpu.memory_space<hbm>> -> memref<40xf32, #tpu.memory_space<hbm>>
    tpu.enqueue_dma source(%dma_start3A_45 : memref<40xf32, #tpu.memory_space<hbm>>) target(%dma_start3A_44 : memref<40xf32, #tpu.memory_space<vmem>>) target_semaphore(%dma_start3A_41 : memref<!tpu.dma_semaphore, #tpu.memory_space<semaphore_mem>>)
    %add3A_46 = arith.constant 40 : i32
    %add3A_47 = arith.addi %mul3A_2, %add3A_46 : i32
    %add3A_48 = arith.constant 40 : i32
    %add3A_49 = arith.addi %mul3A_2, %add3A_48 : i32
    %add3A_50 = arith.constant 40 : i32
    %add3A_51 = arith.addi %mul3A_2, %add3A_50 : i32
    %dma_start3A_52 = arith.constant 1 : i32
    %dma_start3A_53 = arith.constant 1 : i32
    %dma_start3A_54 = arith.constant 0 : i32
    %dma_start3A_55 = tpu.memref_slice %arg7[%dma_start3A_52, %dma_start3A_54] : memref<4x40xi32, #tpu.memory_space<vmem>> -> memref<1x40xi32, #tpu.memory_space<vmem>>
    %dma_start3A_56 = tpu.memref_squeeze %dma_start3A_55 : memref<1x40xi32, #tpu.memory_space<vmem>> -> memref<40xi32, #tpu.memory_space<vmem>>
    %dma_start3A_57 = tpu.memref_slice %arg3[%add3A_47] : memref<320000xi32, #tpu.memory_space<hbm>> -> memref<40xi32, #tpu.memory_space<hbm>>
    %dma_start3A_58 = tpu.memref_slice %arg15[%dma_start3A_53] : memref<4x!tpu.dma_semaphore, #tpu.memory_space<semaphore_mem>> -> memref<1x!tpu.dma_semaphore, #tpu.memory_space<semaphore_mem>>
    %dma_start3A_59 = tpu.memref_squeeze %dma_start3A_58 : memref<1x!tpu.dma_semaphore, #tpu.memory_space<semaphore_mem>> -> memref<!tpu.dma_semaphore, #tpu.memory_space<semaphore_mem>>
    %dma_start3A_60 = arith.constant 0 : i32
    %dma_start3A_61 = tpu.memref_slice %arg7[%dma_start3A_52, %dma_start3A_60] : memref<4x40xi32, #tpu.memory_space<vmem>> -> memref<1x40xi32, #tpu.memory_space<vmem>>
    %dma_start3A_62 = tpu.memref_squeeze %dma_start3A_61 : memref<1x40xi32, #tpu.memory_space<vmem>> -> memref<40xi32, #tpu.memory_space<vmem>>
    %dma_start3A_63 = tpu.memref_slice %arg3[%add3A_47] : memref<320000xi32, #tpu.memory_space<hbm>> -> memref<40xi32, #tpu.memory_space<hbm>>
    tpu.enqueue_dma source(%dma_start3A_63 : memref<40xi32, #tpu.memory_space<hbm>>) target(%dma_start3A_62 : memref<40xi32, #tpu.memory_space<vmem>>) target_semaphore(%dma_start3A_59 : memref<!tpu.dma_semaphore, #tpu.memory_space<semaphore_mem>>)
    %dma_start3A_64 = arith.constant 1 : i32
    %dma_start3A_65 = arith.constant 1 : i32
    %dma_start3A_66 = arith.constant 0 : i32
    %dma_start3A_67 = tpu.memref_slice %arg8[%dma_start3A_64, %dma_start3A_66] : memref<4x40xi32, #tpu.memory_space<vmem>> -> memref<1x40xi32, #tpu.memory_space<vmem>>
    %dma_start3A_68 = tpu.memref_squeeze %dma_start3A_67 : memref<1x40xi32, #tpu.memory_space<vmem>> -> memref<40xi32, #tpu.memory_space<vmem>>
    %dma_start3A_69 = tpu.memref_slice %arg4[%add3A_49] : memref<320000xi32, #tpu.memory_space<hbm>> -> memref<40xi32, #tpu.memory_space<hbm>>
    %dma_start3A_70 = tpu.memref_slice %arg15[%dma_start3A_65] : memref<4x!tpu.dma_semaphore, #tpu.memory_space<semaphore_mem>> -> memref<1x!tpu.dma_semaphore, #tpu.memory_space<semaphore_mem>>
    %dma_start3A_71 = tpu.memref_squeeze %dma_start3A_70 : memref<1x!tpu.dma_semaphore, #tpu.memory_space<semaphore_mem>> -> memref<!tpu.dma_semaphore, #tpu.memory_space<semaphore_mem>>
    %dma_start3A_72 = arith.constant 0 : i32
    %dma_start3A_73 = tpu.memref_slice %arg8[%dma_start3A_64, %dma_start3A_72] : memref<4x40xi32, #tpu.memory_space<vmem>> -> memref<1x40xi32, #tpu.memory_space<vmem>>
    %dma_start3A_74 = tpu.memref_squeeze %dma_start3A_73 : memref<1x40xi32, #tpu.memory_space<vmem>> -> memref<40xi32, #tpu.memory_space<vmem>>
    %dma_start3A_75 = tpu.memref_slice %arg4[%add3A_49] : memref<320000xi32, #tpu.memory_space<hbm>> -> memref<40xi32, #tpu.memory_space<hbm>>
    tpu.enqueue_dma source(%dma_start3A_75 : memref<40xi32, #tpu.memory_space<hbm>>) target(%dma_start3A_74 : memref<40xi32, #tpu.memory_space<vmem>>) target_semaphore(%dma_start3A_71 : memref<!tpu.dma_semaphore, #tpu.memory_space<semaphore_mem>>)
    %dma_start3A_76 = arith.constant 1 : i32
    %dma_start3A_77 = arith.constant 1 : i32
    %dma_start3A_78 = arith.constant 0 : i32
    %dma_start3A_79 = tpu.memref_slice %arg9[%dma_start3A_76, %dma_start3A_78] : memref<4x40xf32, #tpu.memory_space<vmem>> -> memref<1x40xf32, #tpu.memory_space<vmem>>
    %dma_start3A_80 = tpu.memref_squeeze %dma_start3A_79 : memref<1x40xf32, #tpu.memory_space<vmem>> -> memref<40xf32, #tpu.memory_space<vmem>>
    %dma_start3A_81 = tpu.memref_slice %arg5[%add3A_51] : memref<320000xf32, #tpu.memory_space<hbm>> -> memref<40xf32, #tpu.memory_space<hbm>>
    %dma_start3A_82 = tpu.memref_slice %arg15[%dma_start3A_77] : memref<4x!tpu.dma_semaphore, #tpu.memory_space<semaphore_mem>> -> memref<1x!tpu.dma_semaphore, #tpu.memory_space<semaphore_mem>>
    %dma_start3A_83 = tpu.memref_squeeze %dma_start3A_82 : memref<1x!tpu.dma_semaphore, #tpu.memory_space<semaphore_mem>> -> memref<!tpu.dma_semaphore, #tpu.memory_space<semaphore_mem>>
    %dma_start3A_84 = arith.constant 0 : i32
    %dma_start3A_85 = tpu.memref_slice %arg9[%dma_start3A_76, %dma_start3A_84] : memref<4x40xf32, #tpu.memory_space<vmem>> -> memref<1x40xf32, #tpu.memory_space<vmem>>
    %dma_start3A_86 = tpu.memref_squeeze %dma_start3A_85 : memref<1x40xf32, #tpu.memory_space<vmem>> -> memref<40xf32, #tpu.memory_space<vmem>>
    %dma_start3A_87 = tpu.memref_slice %arg5[%add3A_51] : memref<320000xf32, #tpu.memory_space<hbm>> -> memref<40xf32, #tpu.memory_space<hbm>>
    tpu.enqueue_dma source(%dma_start3A_87 : memref<40xf32, #tpu.memory_space<hbm>>) target(%dma_start3A_86 : memref<40xf32, #tpu.memory_space<vmem>>) target_semaphore(%dma_start3A_83 : memref<!tpu.dma_semaphore, #tpu.memory_space<semaphore_mem>>)
    %add3A_88 = arith.constant 80 : i32
    %add3A_89 = arith.addi %mul3A_2, %add3A_88 : i32
    %add3A_90 = arith.constant 80 : i32
    %add3A_91 = arith.addi %mul3A_2, %add3A_90 : i32
    %add3A_92 = arith.constant 80 : i32
    %add3A_93 = arith.addi %mul3A_2, %add3A_92 : i32
    %dma_start3A_94 = arith.constant 2 : i32
    %dma_start3A_95 = arith.constant 2 : i32
    %dma_start3A_96 = arith.constant 0 : i32
    %dma_start3A_97 = tpu.memref_slice %arg7[%dma_start3A_94, %dma_start3A_96] : memref<4x40xi32, #tpu.memory_space<vmem>> -> memref<1x40xi32, #tpu.memory_space<vmem>>
    %dma_start3A_98 = tpu.memref_squeeze %dma_start3A_97 : memref<1x40xi32, #tpu.memory_space<vmem>> -> memref<40xi32, #tpu.memory_space<vmem>>
    %dma_start3A_99 = tpu.memref_slice %arg3[%add3A_89] : memref<320000xi32, #tpu.memory_space<hbm>> -> memref<40xi32, #tpu.memory_space<hbm>>
    %dma_start3A_100 = tpu.memref_slice %arg15[%dma_start3A_95] : memref<4x!tpu.dma_semaphore, #tpu.memory_space<semaphore_mem>> -> memref<1x!tpu.dma_semaphore, #tpu.memory_space<semaphore_mem>>
    %dma_start3A_101 = tpu.memref_squeeze %dma_start3A_100 : memref<1x!tpu.dma_semaphore, #tpu.memory_space<semaphore_mem>> -> memref<!tpu.dma_semaphore, #tpu.memory_space<semaphore_mem>>
    %dma_start3A_102 = arith.constant 0 : i32
    %dma_start3A_103 = tpu.memref_slice %arg7[%dma_start3A_94, %dma_start3A_102] : memref<4x40xi32, #tpu.memory_space<vmem>> -> memref<1x40xi32, #tpu.memory_space<vmem>>
    %dma_start3A_104 = tpu.memref_squeeze %dma_start3A_103 : memref<1x40xi32, #tpu.memory_space<vmem>> -> memref<40xi32, #tpu.memory_space<vmem>>
    %dma_start3A_105 = tpu.memref_slice %arg3[%add3A_89] : memref<320000xi32, #tpu.memory_space<hbm>> -> memref<40xi32, #tpu.memory_space<hbm>>
    tpu.enqueue_dma source(%dma_start3A_105 : memref<40xi32, #tpu.memory_space<hbm>>) target(%dma_start3A_104 : memref<40xi32, #tpu.memory_space<vmem>>) target_semaphore(%dma_start3A_101 : memref<!tpu.dma_semaphore, #tpu.memory_space<semaphore_mem>>)
    %dma_start3A_106 = arith.constant 2 : i32
    %dma_start3A_107 = arith.constant 2 : i32
    %dma_start3A_108 = arith.constant 0 : i32
    %dma_start3A_109 = tpu.memref_slice %arg8[%dma_start3A_106, %dma_start3A_108] : memref<4x40xi32, #tpu.memory_space<vmem>> -> memref<1x40xi32, #tpu.memory_space<vmem>>
    %dma_start3A_110 = tpu.memref_squeeze %dma_start3A_109 : memref<1x40xi32, #tpu.memory_space<vmem>> -> memref<40xi32, #tpu.memory_space<vmem>>
    %dma_start3A_111 = tpu.memref_slice %arg4[%add3A_91] : memref<320000xi32, #tpu.memory_space<hbm>> -> memref<40xi32, #tpu.memory_space<hbm>>
    %dma_start3A_112 = tpu.memref_slice %arg15[%dma_start3A_107] : memref<4x!tpu.dma_semaphore, #tpu.memory_space<semaphore_mem>> -> memref<1x!tpu.dma_semaphore, #tpu.memory_space<semaphore_mem>>
    %dma_start3A_113 = tpu.memref_squeeze %dma_start3A_112 : memref<1x!tpu.dma_semaphore, #tpu.memory_space<semaphore_mem>> -> memref<!tpu.dma_semaphore, #tpu.memory_space<semaphore_mem>>
    %dma_start3A_114 = arith.constant 0 : i32
    %dma_start3A_115 = tpu.memref_slice %arg8[%dma_start3A_106, %dma_start3A_114] : memref<4x40xi32, #tpu.memory_space<vmem>> -> memref<1x40xi32, #tpu.memory_space<vmem>>
    %dma_start3A_116 = tpu.memref_squeeze %dma_start3A_115 : memref<1x40xi32, #tpu.memory_space<vmem>> -> memref<40xi32, #tpu.memory_space<vmem>>
    %dma_start3A_117 = tpu.memref_slice %arg4[%add3A_91] : memref<320000xi32, #tpu.memory_space<hbm>> -> memref<40xi32, #tpu.memory_space<hbm>>
    tpu.enqueue_dma source(%dma_start3A_117 : memref<40xi32, #tpu.memory_space<hbm>>) target(%dma_start3A_116 : memref<40xi32, #tpu.memory_space<vmem>>) target_semaphore(%dma_start3A_113 : memref<!tpu.dma_semaphore, #tpu.memory_space<semaphore_mem>>)
    %dma_start3A_118 = arith.constant 2 : i32
    %dma_start3A_119 = arith.constant 2 : i32
    %dma_start3A_120 = arith.constant 0 : i32
    %dma_start3A_121 = tpu.memref_slice %arg9[%dma_start3A_118, %dma_start3A_120] : memref<4x40xf32, #tpu.memory_space<vmem>> -> memref<1x40xf32, #tpu.memory_space<vmem>>
    %dma_start3A_122 = tpu.memref_squeeze %dma_start3A_121 : memref<1x40xf32, #tpu.memory_space<vmem>> -> memref<40xf32, #tpu.memory_space<vmem>>
    %dma_start3A_123 = tpu.memref_slice %arg5[%add3A_93] : memref<320000xf32, #tpu.memory_space<hbm>> -> memref<40xf32, #tpu.memory_space<hbm>>
    %dma_start3A_124 = tpu.memref_slice %arg15[%dma_start3A_119] : memref<4x!tpu.dma_semaphore, #tpu.memory_space<semaphore_mem>> -> memref<1x!tpu.dma_semaphore, #tpu.memory_space<semaphore_mem>>
    %dma_start3A_125 = tpu.memref_squeeze %dma_start3A_124 : memref<1x!tpu.dma_semaphore, #tpu.memory_space<semaphore_mem>> -> memref<!tpu.dma_semaphore, #tpu.memory_space<semaphore_mem>>
    %dma_start3A_126 = arith.constant 0 : i32
    %dma_start3A_127 = tpu.memref_slice %arg9[%dma_start3A_118, %dma_start3A_126] : memref<4x40xf32, #tpu.memory_space<vmem>> -> memref<1x40xf32, #tpu.memory_space<vmem>>
    %dma_start3A_128 = tpu.memref_squeeze %dma_start3A_127 : memref<1x40xf32, #tpu.memory_space<vmem>> -> memref<40xf32, #tpu.memory_space<vmem>>
    %dma_start3A_129 = tpu.memref_slice %arg5[%add3A_93] : memref<320000xf32, #tpu.memory_space<hbm>> -> memref<40xf32, #tpu.memory_space<hbm>>
    tpu.enqueue_dma source(%dma_start3A_129 : memref<40xf32, #tpu.memory_space<hbm>>) target(%dma_start3A_128 : memref<40xf32, #tpu.memory_space<vmem>>) target_semaphore(%dma_start3A_125 : memref<!tpu.dma_semaphore, #tpu.memory_space<semaphore_mem>>)
    %add3A_130 = arith.constant 120 : i32
    %add3A_131 = arith.addi %mul3A_2, %add3A_130 : i32
    %add3A_132 = arith.constant 120 : i32
    %add3A_133 = arith.addi %mul3A_2, %add3A_132 : i32
    %add3A_134 = arith.constant 120 : i32
    %add3A_135 = arith.addi %mul3A_2, %add3A_134 : i32
    %dma_start3A_136 = arith.constant 3 : i32
    %dma_start3A_137 = arith.constant 3 : i32
    %dma_start3A_138 = arith.constant 0 : i32
    %dma_start3A_139 = tpu.memref_slice %arg7[%dma_start3A_136, %dma_start3A_138] : memref<4x40xi32, #tpu.memory_space<vmem>> -> memref<1x40xi32, #tpu.memory_space<vmem>>
    %dma_start3A_140 = tpu.memref_squeeze %dma_start3A_139 : memref<1x40xi32, #tpu.memory_space<vmem>> -> memref<40xi32, #tpu.memory_space<vmem>>
    %dma_start3A_141 = tpu.memref_slice %arg3[%add3A_131] : memref<320000xi32, #tpu.memory_space<hbm>> -> memref<40xi32, #tpu.memory_space<hbm>>
    %dma_start3A_142 = tpu.memref_slice %arg15[%dma_start3A_137] : memref<4x!tpu.dma_semaphore, #tpu.memory_space<semaphore_mem>> -> memref<1x!tpu.dma_semaphore, #tpu.memory_space<semaphore_mem>>
    %dma_start3A_143 = tpu.memref_squeeze %dma_start3A_142 : memref<1x!tpu.dma_semaphore, #tpu.memory_space<semaphore_mem>> -> memref<!tpu.dma_semaphore, #tpu.memory_space<semaphore_mem>>
    %dma_start3A_144 = arith.constant 0 : i32
    %dma_start3A_145 = tpu.memref_slice %arg7[%dma_start3A_136, %dma_start3A_144] : memref<4x40xi32, #tpu.memory_space<vmem>> -> memref<1x40xi32, #tpu.memory_space<vmem>>
    %dma_start3A_146 = tpu.memref_squeeze %dma_start3A_145 : memref<1x40xi32, #tpu.memory_space<vmem>> -> memref<40xi32, #tpu.memory_space<vmem>>
    %dma_start3A_147 = tpu.memref_slice %arg3[%add3A_131] : memref<320000xi32, #tpu.memory_space<hbm>> -> memref<40xi32, #tpu.memory_space<hbm>>
    tpu.enqueue_dma source(%dma_start3A_147 : memref<40xi32, #tpu.memory_space<hbm>>) target(%dma_start3A_146 : memref<40xi32, #tpu.memory_space<vmem>>) target_semaphore(%dma_start3A_143 : memref<!tpu.dma_semaphore, #tpu.memory_space<semaphore_mem>>)
    %dma_start3A_148 = arith.constant 3 : i32
    %dma_start3A_149 = arith.constant 3 : i32
    %dma_start3A_150 = arith.constant 0 : i32
    %dma_start3A_151 = tpu.memref_slice %arg8[%dma_start3A_148, %dma_start3A_150] : memref<4x40xi32, #tpu.memory_space<vmem>> -> memref<1x40xi32, #tpu.memory_space<vmem>>
    %dma_start3A_152 = tpu.memref_squeeze %dma_start3A_151 : memref<1x40xi32, #tpu.memory_space<vmem>> -> memref<40xi32, #tpu.memory_space<vmem>>
    %dma_start3A_153 = tpu.memref_slice %arg4[%add3A_133] : memref<320000xi32, #tpu.memory_space<hbm>> -> memref<40xi32, #tpu.memory_space<hbm>>
    %dma_start3A_154 = tpu.memref_slice %arg15[%dma_start3A_149] : memref<4x!tpu.dma_semaphore, #tpu.memory_space<semaphore_mem>> -> memref<1x!tpu.dma_semaphore, #tpu.memory_space<semaphore_mem>>
    %dma_start3A_155 = tpu.memref_squeeze %dma_start3A_154 : memref<1x!tpu.dma_semaphore, #tpu.memory_space<semaphore_mem>> -> memref<!tpu.dma_semaphore, #tpu.memory_space<semaphore_mem>>
    %dma_start3A_156 = arith.constant 0 : i32
    %dma_start3A_157 = tpu.memref_slice %arg8[%dma_start3A_148, %dma_start3A_156] : memref<4x40xi32, #tpu.memory_space<vmem>> -> memref<1x40xi32, #tpu.memory_space<vmem>>
    %dma_start3A_158 = tpu.memref_squeeze %dma_start3A_157 : memref<1x40xi32, #tpu.memory_space<vmem>> -> memref<40xi32, #tpu.memory_space<vmem>>
    %dma_start3A_159 = tpu.memref_slice %arg4[%add3A_133] : memref<320000xi32, #tpu.memory_space<hbm>> -> memref<40xi32, #tpu.memory_space<hbm>>
    tpu.enqueue_dma source(%dma_start3A_159 : memref<40xi32, #tpu.memory_space<hbm>>) target(%dma_start3A_158 : memref<40xi32, #tpu.memory_space<vmem>>) target_semaphore(%dma_start3A_155 : memref<!tpu.dma_semaphore, #tpu.memory_space<semaphore_mem>>)
    %dma_start3A_160 = arith.constant 3 : i32
    %dma_start3A_161 = arith.constant 3 : i32
    %dma_start3A_162 = arith.constant 0 : i32
    %dma_start3A_163 = tpu.memref_slice %arg9[%dma_start3A_160, %dma_start3A_162] : memref<4x40xf32, #tpu.memory_space<vmem>> -> memref<1x40xf32, #tpu.memory_space<vmem>>
    %dma_start3A_164 = tpu.memref_squeeze %dma_start3A_163 : memref<1x40xf32, #tpu.memory_space<vmem>> -> memref<40xf32, #tpu.memory_space<vmem>>
    %dma_start3A_165 = tpu.memref_slice %arg5[%add3A_135] : memref<320000xf32, #tpu.memory_space<hbm>> -> memref<40xf32, #tpu.memory_space<hbm>>
    %dma_start3A_166 = tpu.memref_slice %arg15[%dma_start3A_161] : memref<4x!tpu.dma_semaphore, #tpu.memory_space<semaphore_mem>> -> memref<1x!tpu.dma_semaphore, #tpu.memory_space<semaphore_mem>>
    %dma_start3A_167 = tpu.memref_squeeze %dma_start3A_166 : memref<1x!tpu.dma_semaphore, #tpu.memory_space<semaphore_mem>> -> memref<!tpu.dma_semaphore, #tpu.memory_space<semaphore_mem>>
    %dma_start3A_168 = arith.constant 0 : i32
    %dma_start3A_169 = tpu.memref_slice %arg9[%dma_start3A_160, %dma_start3A_168] : memref<4x40xf32, #tpu.memory_space<vmem>> -> memref<1x40xf32, #tpu.memory_space<vmem>>
    %dma_start3A_170 = tpu.memref_squeeze %dma_start3A_169 : memref<1x40xf32, #tpu.memory_space<vmem>> -> memref<40xf32, #tpu.memory_space<vmem>>
    %dma_start3A_171 = tpu.memref_slice %arg5[%add3A_135] : memref<320000xf32, #tpu.memory_space<hbm>> -> memref<40xf32, #tpu.memory_space<hbm>>
    tpu.enqueue_dma source(%dma_start3A_171 : memref<40xf32, #tpu.memory_space<hbm>>) target(%dma_start3A_170 : memref<40xf32, #tpu.memory_space<vmem>>) target_semaphore(%dma_start3A_167 : memref<!tpu.dma_semaphore, #tpu.memory_space<semaphore_mem>>)
    %add3A_172 = arith.constant 0 : i32
    %add3A_173 = arith.addi %mul3A_2, %add3A_172 : i32
    %add3A_174 = arith.constant 0 : i32
    %add3A_175 = arith.addi %mul3A_2, %add3A_174 : i32
    %add3A_176 = arith.constant 0 : i32
    %add3A_177 = arith.addi %mul3A_2, %add3A_176 : i32
    %dma_wait3A = arith.constant 0 : i32
    %dma_wait3A_178 = arith.constant 0 : i32
    %dma_wait3A_179 = arith.constant 0 : i32
    %dma_wait3A_180 = tpu.memref_slice %arg7[%dma_wait3A, %dma_wait3A_179] : memref<4x40xi32, #tpu.memory_space<vmem>> -> memref<1x40xi32, #tpu.memory_space<vmem>>
    %dma_wait3A_181 = tpu.memref_squeeze %dma_wait3A_180 : memref<1x40xi32, #tpu.memory_space<vmem>> -> memref<40xi32, #tpu.memory_space<vmem>>
    %dma_wait3A_182 = tpu.memref_slice %arg3[%add3A_173] : memref<320000xi32, #tpu.memory_space<hbm>> -> memref<40xi32, #tpu.memory_space<hbm>>
    %dma_wait3A_183 = tpu.memref_slice %arg15[%dma_wait3A_178] : memref<4x!tpu.dma_semaphore, #tpu.memory_space<semaphore_mem>> -> memref<1x!tpu.dma_semaphore, #tpu.memory_space<semaphore_mem>>
    %dma_wait3A_184 = tpu.memref_squeeze %dma_wait3A_183 : memref<1x!tpu.dma_semaphore, #tpu.memory_space<semaphore_mem>> -> memref<!tpu.dma_semaphore, #tpu.memory_space<semaphore_mem>>
    %dma_wait3A_185 = arith.constant 0 : i32
    %dma_wait3A_186 = tpu.memref_slice %arg7[%dma_wait3A, %dma_wait3A_185] : memref<4x40xi32, #tpu.memory_space<vmem>> -> memref<1x40xi32, #tpu.memory_space<vmem>>
    %dma_wait3A_187 = tpu.memref_squeeze %dma_wait3A_186 : memref<1x40xi32, #tpu.memory_space<vmem>> -> memref<40xi32, #tpu.memory_space<vmem>>
    %dma_wait3A_188 = tpu.memref_slice %arg3[%add3A_173] : memref<320000xi32, #tpu.memory_space<hbm>> -> memref<40xi32, #tpu.memory_space<hbm>>
    tpu.wait_dma2 semaphore(%dma_wait3A_184 : memref<!tpu.dma_semaphore, #tpu.memory_space<semaphore_mem>>) src(%dma_wait3A_188 : memref<40xi32, #tpu.memory_space<hbm>>) dst(%dma_wait3A_187 : memref<40xi32, #tpu.memory_space<vmem>>)
    %dma_wait3A_189 = arith.constant 0 : i32
    %dma_wait3A_190 = arith.constant 0 : i32
    %dma_wait3A_191 = arith.constant 0 : i32
    %dma_wait3A_192 = tpu.memref_slice %arg8[%dma_wait3A_189, %dma_wait3A_191] : memref<4x40xi32, #tpu.memory_space<vmem>> -> memref<1x40xi32, #tpu.memory_space<vmem>>
    %dma_wait3A_193 = tpu.memref_squeeze %dma_wait3A_192 : memref<1x40xi32, #tpu.memory_space<vmem>> -> memref<40xi32, #tpu.memory_space<vmem>>
    %dma_wait3A_194 = tpu.memref_slice %arg4[%add3A_175] : memref<320000xi32, #tpu.memory_space<hbm>> -> memref<40xi32, #tpu.memory_space<hbm>>
    %dma_wait3A_195 = tpu.memref_slice %arg15[%dma_wait3A_190] : memref<4x!tpu.dma_semaphore, #tpu.memory_space<semaphore_mem>> -> memref<1x!tpu.dma_semaphore, #tpu.memory_space<semaphore_mem>>
    %dma_wait3A_196 = tpu.memref_squeeze %dma_wait3A_195 : memref<1x!tpu.dma_semaphore, #tpu.memory_space<semaphore_mem>> -> memref<!tpu.dma_semaphore, #tpu.memory_space<semaphore_mem>>
    %dma_wait3A_197 = arith.constant 0 : i32
    %dma_wait3A_198 = tpu.memref_slice %arg8[%dma_wait3A_189, %dma_wait3A_197] : memref<4x40xi32, #tpu.memory_space<vmem>> -> memref<1x40xi32, #tpu.memory_space<vmem>>
    %dma_wait3A_199 = tpu.memref_squeeze %dma_wait3A_198 : memref<1x40xi32, #tpu.memory_space<vmem>> -> memref<40xi32, #tpu.memory_space<vmem>>
    %dma_wait3A_200 = tpu.memref_slice %arg4[%add3A_175] : memref<320000xi32, #tpu.memory_space<hbm>> -> memref<40xi32, #tpu.memory_space<hbm>>
    tpu.wait_dma2 semaphore(%dma_wait3A_196 : memref<!tpu.dma_semaphore, #tpu.memory_space<semaphore_mem>>) src(%dma_wait3A_200 : memref<40xi32, #tpu.memory_space<hbm>>) dst(%dma_wait3A_199 : memref<40xi32, #tpu.memory_space<vmem>>)
    %dma_wait3A_201 = arith.constant 0 : i32
    %dma_wait3A_202 = arith.constant 0 : i32
    %dma_wait3A_203 = arith.constant 0 : i32
    %dma_wait3A_204 = tpu.memref_slice %arg9[%dma_wait3A_201, %dma_wait3A_203] : memref<4x40xf32, #tpu.memory_space<vmem>> -> memref<1x40xf32, #tpu.memory_space<vmem>>
    %dma_wait3A_205 = tpu.memref_squeeze %dma_wait3A_204 : memref<1x40xf32, #tpu.memory_space<vmem>> -> memref<40xf32, #tpu.memory_space<vmem>>
    %dma_wait3A_206 = tpu.memref_slice %arg5[%add3A_177] : memref<320000xf32, #tpu.memory_space<hbm>> -> memref<40xf32, #tpu.memory_space<hbm>>
    %dma_wait3A_207 = tpu.memref_slice %arg15[%dma_wait3A_202] : memref<4x!tpu.dma_semaphore, #tpu.memory_space<semaphore_mem>> -> memref<1x!tpu.dma_semaphore, #tpu.memory_space<semaphore_mem>>
    %dma_wait3A_208 = tpu.memref_squeeze %dma_wait3A_207 : memref<1x!tpu.dma_semaphore, #tpu.memory_space<semaphore_mem>> -> memref<!tpu.dma_semaphore, #tpu.memory_space<semaphore_mem>>
    %dma_wait3A_209 = arith.constant 0 : i32
    %dma_wait3A_210 = tpu.memref_slice %arg9[%dma_wait3A_201, %dma_wait3A_209] : memref<4x40xf32, #tpu.memory_space<vmem>> -> memref<1x40xf32, #tpu.memory_space<vmem>>
    %dma_wait3A_211 = tpu.memref_squeeze %dma_wait3A_210 : memref<1x40xf32, #tpu.memory_space<vmem>> -> memref<40xf32, #tpu.memory_space<vmem>>
    %dma_wait3A_212 = tpu.memref_slice %arg5[%add3A_177] : memref<320000xf32, #tpu.memory_space<hbm>> -> memref<40xf32, #tpu.memory_space<hbm>>
    tpu.wait_dma2 semaphore(%dma_wait3A_208 : memref<!tpu.dma_semaphore, #tpu.memory_space<semaphore_mem>>) src(%dma_wait3A_212 : memref<40xf32, #tpu.memory_space<hbm>>) dst(%dma_wait3A_211 : memref<40xf32, #tpu.memory_space<vmem>>)
    %dma_start3A_213 = arith.constant 0 : i32
    %dma_start3A_214 = arith.constant 0 : i32
    %dma_start3A_215 = arith.constant 0 : i32
    %dma_start3A_216 = arith.constant 0 : i32
    %dma_start3A_217 = arith.constant 0 : i32
    %dma_start3A_218 = tpu.memref_slice %arg10[%dma_start3A_214, %dma_start3A_216, %dma_start3A_217] : memref<4x40x128xf32, #tpu.memory_space<vmem>> -> memref<1x40x128xf32, #tpu.memory_space<vmem>>
    %dma_start3A_219 = tpu.memref_squeeze %dma_start3A_218 : memref<1x40x128xf32, #tpu.memory_space<vmem>> -> memref<40x128xf32, #tpu.memory_space<vmem>>
    %dma_start3A_220 = arith.constant 0 : i32
    %dma_start3A_221 = tpu.memref_slice %arg7[%dma_start3A_213, %dma_start3A_220] : memref<4x40xi32, #tpu.memory_space<vmem>> -> memref<1x40xi32, #tpu.memory_space<vmem>>
    %dma_start3A_222 = tpu.memref_squeeze %dma_start3A_221 : memref<1x40xi32, #tpu.memory_space<vmem>> -> memref<40xi32, #tpu.memory_space<vmem>>
    %dma_start3A_223 = arith.constant 0 : i32
    %dma_start3A_224 = arith.constant 0 : i32
    %dma_start3A_225 = tpu.memref_slice %arg12[%dma_start3A_223, %dma_start3A_224] : memref<10000x128xf32, #tpu.memory_space<vmem_shared>> -> memref<10000x128xf32, #tpu.memory_space<vmem_shared>>
    %dma_start3A_226 = tpu.memref_slice %arg13[%dma_start3A_215] : memref<4x!tpu.dma_semaphore, #tpu.memory_space<semaphore_mem>> -> memref<1x!tpu.dma_semaphore, #tpu.memory_space<semaphore_mem>>
    %dma_start3A_227 = tpu.memref_squeeze %dma_start3A_226 : memref<1x!tpu.dma_semaphore, #tpu.memory_space<semaphore_mem>> -> memref<!tpu.dma_semaphore, #tpu.memory_space<semaphore_mem>>
    tpu.enqueue_indirect_dma source(%dma_start3A_225 : memref<10000x128xf32, #tpu.memory_space<vmem_shared>>) target(%dma_start3A_219 : memref<40x128xf32, #tpu.memory_space<vmem>>) offsets(%dma_start3A_222 : memref<40xi32, #tpu.memory_space<vmem>>) semaphore(%dma_start3A_227 : memref<!tpu.dma_semaphore, #tpu.memory_space<semaphore_mem>>)
    %dma_start3A_228 = arith.constant 0 : i32
    %dma_start3A_229 = arith.constant 0 : i32
    %dma_start3A_230 = arith.constant 0 : i32
    %dma_start3A_231 = arith.constant 0 : i32
    %dma_start3A_232 = arith.constant 0 : i32
    %dma_start3A_233 = tpu.memref_slice %arg11[%dma_start3A_229, %dma_start3A_231, %dma_start3A_232] : memref<4x40x128xf32, #tpu.memory_space<vmem>> -> memref<1x40x128xf32, #tpu.memory_space<vmem>>
    %dma_start3A_234 = tpu.memref_squeeze %dma_start3A_233 : memref<1x40x128xf32, #tpu.memory_space<vmem>> -> memref<40x128xf32, #tpu.memory_space<vmem>>
    %dma_start3A_235 = arith.constant 0 : i32
    %dma_start3A_236 = tpu.memref_slice %arg8[%dma_start3A_228, %dma_start3A_235] : memref<4x40xi32, #tpu.memory_space<vmem>> -> memref<1x40xi32, #tpu.memory_space<vmem>>
    %dma_start3A_237 = tpu.memref_squeeze %dma_start3A_236 : memref<1x40xi32, #tpu.memory_space<vmem>> -> memref<40xi32, #tpu.memory_space<vmem>>
    %dma_start3A_238 = arith.constant 0 : i32
    %dma_start3A_239 = arith.constant 0 : i32
    %dma_start3A_240 = tpu.memref_slice %arg12[%dma_start3A_238, %dma_start3A_239] : memref<10000x128xf32, #tpu.memory_space<vmem_shared>> -> memref<10000x128xf32, #tpu.memory_space<vmem_shared>>
    %dma_start3A_241 = tpu.memref_slice %arg13[%dma_start3A_230] : memref<4x!tpu.dma_semaphore, #tpu.memory_space<semaphore_mem>> -> memref<1x!tpu.dma_semaphore, #tpu.memory_space<semaphore_mem>>
    %dma_start3A_242 = tpu.memref_squeeze %dma_start3A_241 : memref<1x!tpu.dma_semaphore, #tpu.memory_space<semaphore_mem>> -> memref<!tpu.dma_semaphore, #tpu.memory_space<semaphore_mem>>
    tpu.enqueue_indirect_dma source(%dma_start3A_240 : memref<10000x128xf32, #tpu.memory_space<vmem_shared>>) target(%dma_start3A_234 : memref<40x128xf32, #tpu.memory_space<vmem>>) offsets(%dma_start3A_237 : memref<40xi32, #tpu.memory_space<vmem>>) semaphore(%dma_start3A_242 : memref<!tpu.dma_semaphore, #tpu.memory_space<semaphore_mem>>)
    %add3A_243 = arith.constant 40 : i32
    %add3A_244 = arith.addi %mul3A_2, %add3A_243 : i32
    %add3A_245 = arith.constant 40 : i32
    %add3A_246 = arith.addi %mul3A_2, %add3A_245 : i32
    %add3A_247 = arith.constant 40 : i32
    %add3A_248 = arith.addi %mul3A_2, %add3A_247 : i32
    %dma_wait3A_249 = arith.constant 1 : i32
    %dma_wait3A_250 = arith.constant 1 : i32
    %dma_wait3A_251 = arith.constant 0 : i32
    %dma_wait3A_252 = tpu.memref_slice %arg7[%dma_wait3A_249, %dma_wait3A_251] : memref<4x40xi32, #tpu.memory_space<vmem>> -> memref<1x40xi32, #tpu.memory_space<vmem>>
    %dma_wait3A_253 = tpu.memref_squeeze %dma_wait3A_252 : memref<1x40xi32, #tpu.memory_space<vmem>> -> memref<40xi32, #tpu.memory_space<vmem>>
    %dma_wait3A_254 = tpu.memref_slice %arg3[%add3A_244] : memref<320000xi32, #tpu.memory_space<hbm>> -> memref<40xi32, #tpu.memory_space<hbm>>
    %dma_wait3A_255 = tpu.memref_slice %arg15[%dma_wait3A_250] : memref<4x!tpu.dma_semaphore, #tpu.memory_space<semaphore_mem>> -> memref<1x!tpu.dma_semaphore, #tpu.memory_space<semaphore_mem>>
    %dma_wait3A_256 = tpu.memref_squeeze %dma_wait3A_255 : memref<1x!tpu.dma_semaphore, #tpu.memory_space<semaphore_mem>> -> memref<!tpu.dma_semaphore, #tpu.memory_space<semaphore_mem>>
    %dma_wait3A_257 = arith.constant 0 : i32
    %dma_wait3A_258 = tpu.memref_slice %arg7[%dma_wait3A_249, %dma_wait3A_257] : memref<4x40xi32, #tpu.memory_space<vmem>> -> memref<1x40xi32, #tpu.memory_space<vmem>>
    %dma_wait3A_259 = tpu.memref_squeeze %dma_wait3A_258 : memref<1x40xi32, #tpu.memory_space<vmem>> -> memref<40xi32, #tpu.memory_space<vmem>>
    %dma_wait3A_260 = tpu.memref_slice %arg3[%add3A_244] : memref<320000xi32, #tpu.memory_space<hbm>> -> memref<40xi32, #tpu.memory_space<hbm>>
    tpu.wait_dma2 semaphore(%dma_wait3A_256 : memref<!tpu.dma_semaphore, #tpu.memory_space<semaphore_mem>>) src(%dma_wait3A_260 : memref<40xi32, #tpu.memory_space<hbm>>) dst(%dma_wait3A_259 : memref<40xi32, #tpu.memory_space<vmem>>)
    %dma_wait3A_261 = arith.constant 1 : i32
    %dma_wait3A_262 = arith.constant 1 : i32
    %dma_wait3A_263 = arith.constant 0 : i32
    %dma_wait3A_264 = tpu.memref_slice %arg8[%dma_wait3A_261, %dma_wait3A_263] : memref<4x40xi32, #tpu.memory_space<vmem>> -> memref<1x40xi32, #tpu.memory_space<vmem>>
    %dma_wait3A_265 = tpu.memref_squeeze %dma_wait3A_264 : memref<1x40xi32, #tpu.memory_space<vmem>> -> memref<40xi32, #tpu.memory_space<vmem>>
    %dma_wait3A_266 = tpu.memref_slice %arg4[%add3A_246] : memref<320000xi32, #tpu.memory_space<hbm>> -> memref<40xi32, #tpu.memory_space<hbm>>
    %dma_wait3A_267 = tpu.memref_slice %arg15[%dma_wait3A_262] : memref<4x!tpu.dma_semaphore, #tpu.memory_space<semaphore_mem>> -> memref<1x!tpu.dma_semaphore, #tpu.memory_space<semaphore_mem>>
    %dma_wait3A_268 = tpu.memref_squeeze %dma_wait3A_267 : memref<1x!tpu.dma_semaphore, #tpu.memory_space<semaphore_mem>> -> memref<!tpu.dma_semaphore, #tpu.memory_space<semaphore_mem>>
    %dma_wait3A_269 = arith.constant 0 : i32
    %dma_wait3A_270 = tpu.memref_slice %arg8[%dma_wait3A_261, %dma_wait3A_269] : memref<4x40xi32, #tpu.memory_space<vmem>> -> memref<1x40xi32, #tpu.memory_space<vmem>>
    %dma_wait3A_271 = tpu.memref_squeeze %dma_wait3A_270 : memref<1x40xi32, #tpu.memory_space<vmem>> -> memref<40xi32, #tpu.memory_space<vmem>>
    %dma_wait3A_272 = tpu.memref_slice %arg4[%add3A_246] : memref<320000xi32, #tpu.memory_space<hbm>> -> memref<40xi32, #tpu.memory_space<hbm>>
    tpu.wait_dma2 semaphore(%dma_wait3A_268 : memref<!tpu.dma_semaphore, #tpu.memory_space<semaphore_mem>>) src(%dma_wait3A_272 : memref<40xi32, #tpu.memory_space<hbm>>) dst(%dma_wait3A_271 : memref<40xi32, #tpu.memory_space<vmem>>)
    %dma_wait3A_273 = arith.constant 1 : i32
    %dma_wait3A_274 = arith.constant 1 : i32
    %dma_wait3A_275 = arith.constant 0 : i32
    %dma_wait3A_276 = tpu.memref_slice %arg9[%dma_wait3A_273, %dma_wait3A_275] : memref<4x40xf32, #tpu.memory_space<vmem>> -> memref<1x40xf32, #tpu.memory_space<vmem>>
    %dma_wait3A_277 = tpu.memref_squeeze %dma_wait3A_276 : memref<1x40xf32, #tpu.memory_space<vmem>> -> memref<40xf32, #tpu.memory_space<vmem>>
    %dma_wait3A_278 = tpu.memref_slice %arg5[%add3A_248] : memref<320000xf32, #tpu.memory_space<hbm>> -> memref<40xf32, #tpu.memory_space<hbm>>
    %dma_wait3A_279 = tpu.memref_slice %arg15[%dma_wait3A_274] : memref<4x!tpu.dma_semaphore, #tpu.memory_space<semaphore_mem>> -> memref<1x!tpu.dma_semaphore, #tpu.memory_space<semaphore_mem>>
    %dma_wait3A_280 = tpu.memref_squeeze %dma_wait3A_279 : memref<1x!tpu.dma_semaphore, #tpu.memory_space<semaphore_mem>> -> memref<!tpu.dma_semaphore, #tpu.memory_space<semaphore_mem>>
    %dma_wait3A_281 = arith.constant 0 : i32
    %dma_wait3A_282 = tpu.memref_slice %arg9[%dma_wait3A_273, %dma_wait3A_281] : memref<4x40xf32, #tpu.memory_space<vmem>> -> memref<1x40xf32, #tpu.memory_space<vmem>>
    %dma_wait3A_283 = tpu.memref_squeeze %dma_wait3A_282 : memref<1x40xf32, #tpu.memory_space<vmem>> -> memref<40xf32, #tpu.memory_space<vmem>>
    %dma_wait3A_284 = tpu.memref_slice %arg5[%add3A_248] : memref<320000xf32, #tpu.memory_space<hbm>> -> memref<40xf32, #tpu.memory_space<hbm>>
    tpu.wait_dma2 semaphore(%dma_wait3A_280 : memref<!tpu.dma_semaphore, #tpu.memory_space<semaphore_mem>>) src(%dma_wait3A_284 : memref<40xf32, #tpu.memory_space<hbm>>) dst(%dma_wait3A_283 : memref<40xf32, #tpu.memory_space<vmem>>)
    %dma_start3A_285 = arith.constant 1 : i32
    %dma_start3A_286 = arith.constant 1 : i32
    %dma_start3A_287 = arith.constant 1 : i32
    %dma_start3A_288 = arith.constant 0 : i32
    %dma_start3A_289 = arith.constant 0 : i32
    %dma_start3A_290 = tpu.memref_slice %arg10[%dma_start3A_286, %dma_start3A_288, %dma_start3A_289] : memref<4x40x128xf32, #tpu.memory_space<vmem>> -> memref<1x40x128xf32, #tpu.memory_space<vmem>>
    %dma_start3A_291 = tpu.memref_squeeze %dma_start3A_290 : memref<1x40x128xf32, #tpu.memory_space<vmem>> -> memref<40x128xf32, #tpu.memory_space<vmem>>
    %dma_start3A_292 = arith.constant 0 : i32
    %dma_start3A_293 = tpu.memref_slice %arg7[%dma_start3A_285, %dma_start3A_292] : memref<4x40xi32, #tpu.memory_space<vmem>> -> memref<1x40xi32, #tpu.memory_space<vmem>>
    %dma_start3A_294 = tpu.memref_squeeze %dma_start3A_293 : memref<1x40xi32, #tpu.memory_space<vmem>> -> memref<40xi32, #tpu.memory_space<vmem>>
    %dma_start3A_295 = arith.constant 0 : i32
    %dma_start3A_296 = arith.constant 0 : i32
    %dma_start3A_297 = tpu.memref_slice %arg12[%dma_start3A_295, %dma_start3A_296] : memref<10000x128xf32, #tpu.memory_space<vmem_shared>> -> memref<10000x128xf32, #tpu.memory_space<vmem_shared>>
    %dma_start3A_298 = tpu.memref_slice %arg13[%dma_start3A_287] : memref<4x!tpu.dma_semaphore, #tpu.memory_space<semaphore_mem>> -> memref<1x!tpu.dma_semaphore, #tpu.memory_space<semaphore_mem>>
    %dma_start3A_299 = tpu.memref_squeeze %dma_start3A_298 : memref<1x!tpu.dma_semaphore, #tpu.memory_space<semaphore_mem>> -> memref<!tpu.dma_semaphore, #tpu.memory_space<semaphore_mem>>
    tpu.enqueue_indirect_dma source(%dma_start3A_297 : memref<10000x128xf32, #tpu.memory_space<vmem_shared>>) target(%dma_start3A_291 : memref<40x128xf32, #tpu.memory_space<vmem>>) offsets(%dma_start3A_294 : memref<40xi32, #tpu.memory_space<vmem>>) semaphore(%dma_start3A_299 : memref<!tpu.dma_semaphore, #tpu.memory_space<semaphore_mem>>)
    %dma_start3A_300 = arith.constant 1 : i32
    %dma_start3A_301 = arith.constant 1 : i32
    %dma_start3A_302 = arith.constant 1 : i32
    %dma_start3A_303 = arith.constant 0 : i32
    %dma_start3A_304 = arith.constant 0 : i32
    %dma_start3A_305 = tpu.memref_slice %arg11[%dma_start3A_301, %dma_start3A_303, %dma_start3A_304] : memref<4x40x128xf32, #tpu.memory_space<vmem>> -> memref<1x40x128xf32, #tpu.memory_space<vmem>>
    %dma_start3A_306 = tpu.memref_squeeze %dma_start3A_305 : memref<1x40x128xf32, #tpu.memory_space<vmem>> -> memref<40x128xf32, #tpu.memory_space<vmem>>
    %dma_start3A_307 = arith.constant 0 : i32
    %dma_start3A_308 = tpu.memref_slice %arg8[%dma_start3A_300, %dma_start3A_307] : memref<4x40xi32, #tpu.memory_space<vmem>> -> memref<1x40xi32, #tpu.memory_space<vmem>>
    %dma_start3A_309 = tpu.memref_squeeze %dma_start3A_308 : memref<1x40xi32, #tpu.memory_space<vmem>> -> memref<40xi32, #tpu.memory_space<vmem>>
    %dma_start3A_310 = arith.constant 0 : i32
    %dma_start3A_311 = arith.constant 0 : i32
    %dma_start3A_312 = tpu.memref_slice %arg12[%dma_start3A_310, %dma_start3A_311] : memref<10000x128xf32, #tpu.memory_space<vmem_shared>> -> memref<10000x128xf32, #tpu.memory_space<vmem_shared>>
    %dma_start3A_313 = tpu.memref_slice %arg13[%dma_start3A_302] : memref<4x!tpu.dma_semaphore, #tpu.memory_space<semaphore_mem>> -> memref<1x!tpu.dma_semaphore, #tpu.memory_space<semaphore_mem>>
    %dma_start3A_314 = tpu.memref_squeeze %dma_start3A_313 : memref<1x!tpu.dma_semaphore, #tpu.memory_space<semaphore_mem>> -> memref<!tpu.dma_semaphore, #tpu.memory_space<semaphore_mem>>
    tpu.enqueue_indirect_dma source(%dma_start3A_312 : memref<10000x128xf32, #tpu.memory_space<vmem_shared>>) target(%dma_start3A_306 : memref<40x128xf32, #tpu.memory_space<vmem>>) offsets(%dma_start3A_309 : memref<40xi32, #tpu.memory_space<vmem>>) semaphore(%dma_start3A_314 : memref<!tpu.dma_semaphore, #tpu.memory_space<semaphore_mem>>)
    %scan3A = arith.constant 0 : i32
    %scan3A_315 = arith.constant 0 : i32
    %scan3A_316 = arith.constant 250 : i32
    %scan3A_317 = arith.addi %scan3A_315, %scan3A_316 : i32
    %scan3A_318 = arith.constant 1 : i32
    scf.for %scan3A_392 = %scan3A_315 to %scan3A_317 step %scan3A_318  : i32 {
      %rem3A = arith.constant 4 : i32
      %rem3A_393 = arith.remsi %scan3A_392, %rem3A : i32
      %add3A_394 = arith.constant 2 : i32
      %add3A_395 = arith.addi %scan3A_392, %add3A_394 : i32
      %rem3A_396 = arith.constant 4 : i32
      %rem3A_397 = arith.remsi %add3A_395, %rem3A_396 : i32
      %ge3A = arith.constant 2 : i32
      %ge3A_398 = arith.cmpi sge, %scan3A_392, %ge3A : i32
      %convert_element_type3A_399 = arith.extui %ge3A_398 : i1 to i32
      %cond3A_400 = arith.constant 0 : i32
      %cond3A_401 = arith.cmpi ne, %convert_element_type3A_399, %cond3A_400 : i32
      scf.if %cond3A_401 {
        %sub3A = arith.constant 2 : i32
        %sub3A_475 = arith.subi %scan3A_392, %sub3A : i32
        %mul3A_476 = arith.constant 40 : i32
        %mul3A_477 = arith.muli %sub3A_475, %mul3A_476 : i32
        %add3A_478 = arith.addi %mul3A_2, %mul3A_477 : i32
        %mul3A_479 = arith.constant 40 : i32
        %mul3A_480 = arith.muli %sub3A_475, %mul3A_479 : i32
        %add3A_481 = arith.addi %mul3A_2, %mul3A_480 : i32
        %dma_wait3A_482 = arith.constant 0 : i32
        %dma_wait3A_483 = arith.constant 0 : i32
        %dma_wait3A_484 = tpu.memref_slice %arg10[%rem3A_397, %dma_wait3A_482, %dma_wait3A_483] : memref<4x40x128xf32, #tpu.memory_space<vmem>> -> memref<1x40x128xf32, #tpu.memory_space<vmem>>
        %dma_wait3A_485 = tpu.memref_squeeze %dma_wait3A_484 : memref<1x40x128xf32, #tpu.memory_space<vmem>> -> memref<40x128xf32, #tpu.memory_space<vmem>>
        %dma_wait3A_486 = arith.constant 0 : i32
        %dma_wait3A_487 = tpu.memref_slice %arg6[%add3A_478, %dma_wait3A_486] : memref<320000x256xf32, #tpu.memory_space<hbm>> -> memref<40x128xf32, #tpu.memory_space<hbm>>
        %dma_wait3A_488 = tpu.memref_slice %arg14[%rem3A_397] : memref<4x!tpu.dma_semaphore, #tpu.memory_space<semaphore_mem>> -> memref<1x!tpu.dma_semaphore, #tpu.memory_space<semaphore_mem>>
        %dma_wait3A_489 = tpu.memref_squeeze %dma_wait3A_488 : memref<1x!tpu.dma_semaphore, #tpu.memory_space<semaphore_mem>> -> memref<!tpu.dma_semaphore, #tpu.memory_space<semaphore_mem>>
        %dma_wait3A_490 = arith.constant 0 : i32
        %dma_wait3A_491 = tpu.memref_slice %arg6[%add3A_478, %dma_wait3A_490] : memref<320000x256xf32, #tpu.memory_space<hbm>> -> memref<40x128xf32, #tpu.memory_space<hbm>>
        %dma_wait3A_492 = arith.constant 0 : i32
        %dma_wait3A_493 = arith.constant 0 : i32
        %dma_wait3A_494 = tpu.memref_slice %arg10[%rem3A_397, %dma_wait3A_492, %dma_wait3A_493] : memref<4x40x128xf32, #tpu.memory_space<vmem>> -> memref<1x40x128xf32, #tpu.memory_space<vmem>>
        %dma_wait3A_495 = tpu.memref_squeeze %dma_wait3A_494 : memref<1x40x128xf32, #tpu.memory_space<vmem>> -> memref<40x128xf32, #tpu.memory_space<vmem>>
        tpu.wait_dma2 semaphore(%dma_wait3A_489 : memref<!tpu.dma_semaphore, #tpu.memory_space<semaphore_mem>>) src(%dma_wait3A_495 : memref<40x128xf32, #tpu.memory_space<vmem>>) dst(%dma_wait3A_491 : memref<40x128xf32, #tpu.memory_space<hbm>>)
        %dma_wait3A_496 = arith.constant 0 : i32
        %dma_wait3A_497 = arith.constant 0 : i32
        %dma_wait3A_498 = tpu.memref_slice %arg11[%rem3A_397, %dma_wait3A_496, %dma_wait3A_497] : memref<4x40x128xf32, #tpu.memory_space<vmem>> -> memref<1x40x128xf32, #tpu.memory_space<vmem>>
        %dma_wait3A_499 = tpu.memref_squeeze %dma_wait3A_498 : memref<1x40x128xf32, #tpu.memory_space<vmem>> -> memref<40x128xf32, #tpu.memory_space<vmem>>
        %dma_wait3A_500 = arith.constant 128 : i32
        %dma_wait3A_501 = tpu.memref_slice %arg6[%add3A_481, %dma_wait3A_500] : memref<320000x256xf32, #tpu.memory_space<hbm>> -> memref<40x128xf32, #tpu.memory_space<hbm>>
        %dma_wait3A_502 = tpu.memref_slice %arg14[%rem3A_397] : memref<4x!tpu.dma_semaphore, #tpu.memory_space<semaphore_mem>> -> memref<1x!tpu.dma_semaphore, #tpu.memory_space<semaphore_mem>>
        %dma_wait3A_503 = tpu.memref_squeeze %dma_wait3A_502 : memref<1x!tpu.dma_semaphore, #tpu.memory_space<semaphore_mem>> -> memref<!tpu.dma_semaphore, #tpu.memory_space<semaphore_mem>>
        %dma_wait3A_504 = arith.constant 128 : i32
        %dma_wait3A_505 = tpu.memref_slice %arg6[%add3A_481, %dma_wait3A_504] : memref<320000x256xf32, #tpu.memory_space<hbm>> -> memref<40x128xf32, #tpu.memory_space<hbm>>
        %dma_wait3A_506 = arith.constant 0 : i32
        %dma_wait3A_507 = arith.constant 0 : i32
        %dma_wait3A_508 = tpu.memref_slice %arg11[%rem3A_397, %dma_wait3A_506, %dma_wait3A_507] : memref<4x40x128xf32, #tpu.memory_space<vmem>> -> memref<1x40x128xf32, #tpu.memory_space<vmem>>
        %dma_wait3A_509 = tpu.memref_squeeze %dma_wait3A_508 : memref<1x40x128xf32, #tpu.memory_space<vmem>> -> memref<40x128xf32, #tpu.memory_space<vmem>>
        tpu.wait_dma2 semaphore(%dma_wait3A_503 : memref<!tpu.dma_semaphore, #tpu.memory_space<semaphore_mem>>) src(%dma_wait3A_509 : memref<40x128xf32, #tpu.memory_space<vmem>>) dst(%dma_wait3A_505 : memref<40x128xf32, #tpu.memory_space<hbm>>)
      } else {
      }
      %add3A_402 = arith.constant 2 : i32
      %add3A_403 = arith.addi %scan3A_392, %add3A_402 : i32
      %lt3A = arith.constant 250 : i32
      %lt3A_404 = arith.cmpi slt, %add3A_403, %lt3A : i32
      %convert_element_type3A_405 = arith.extui %lt3A_404 : i1 to i32
      %cond3A_406 = arith.constant 0 : i32
      %cond3A_407 = arith.cmpi ne, %convert_element_type3A_405, %cond3A_406 : i32
      scf.if %cond3A_407 {
        %add3A_475 = arith.constant 2 : i32
        %add3A_476 = arith.addi %scan3A_392, %add3A_475 : i32
        %mul3A_477 = arith.constant 40 : i32
        %mul3A_478 = arith.muli %add3A_476, %mul3A_477 : i32
        %add3A_479 = arith.addi %mul3A_2, %mul3A_478 : i32
        %mul3A_480 = arith.constant 40 : i32
        %mul3A_481 = arith.muli %add3A_476, %mul3A_480 : i32
        %add3A_482 = arith.addi %mul3A_2, %mul3A_481 : i32
        %mul3A_483 = arith.constant 40 : i32
        %mul3A_484 = arith.muli %add3A_476, %mul3A_483 : i32
        %add3A_485 = arith.addi %mul3A_2, %mul3A_484 : i32
        %dma_wait3A_486 = arith.constant 0 : i32
        %dma_wait3A_487 = tpu.memref_slice %arg7[%rem3A_397, %dma_wait3A_486] : memref<4x40xi32, #tpu.memory_space<vmem>> -> memref<1x40xi32, #tpu.memory_space<vmem>>
        %dma_wait3A_488 = tpu.memref_squeeze %dma_wait3A_487 : memref<1x40xi32, #tpu.memory_space<vmem>> -> memref<40xi32, #tpu.memory_space<vmem>>
        %dma_wait3A_489 = tpu.memref_slice %arg3[%add3A_479] : memref<320000xi32, #tpu.memory_space<hbm>> -> memref<40xi32, #tpu.memory_space<hbm>>
        %dma_wait3A_490 = tpu.memref_slice %arg15[%rem3A_397] : memref<4x!tpu.dma_semaphore, #tpu.memory_space<semaphore_mem>> -> memref<1x!tpu.dma_semaphore, #tpu.memory_space<semaphore_mem>>
        %dma_wait3A_491 = tpu.memref_squeeze %dma_wait3A_490 : memref<1x!tpu.dma_semaphore, #tpu.memory_space<semaphore_mem>> -> memref<!tpu.dma_semaphore, #tpu.memory_space<semaphore_mem>>
        %dma_wait3A_492 = arith.constant 0 : i32
        %dma_wait3A_493 = tpu.memref_slice %arg7[%rem3A_397, %dma_wait3A_492] : memref<4x40xi32, #tpu.memory_space<vmem>> -> memref<1x40xi32, #tpu.memory_space<vmem>>
        %dma_wait3A_494 = tpu.memref_squeeze %dma_wait3A_493 : memref<1x40xi32, #tpu.memory_space<vmem>> -> memref<40xi32, #tpu.memory_space<vmem>>
        %dma_wait3A_495 = tpu.memref_slice %arg3[%add3A_479] : memref<320000xi32, #tpu.memory_space<hbm>> -> memref<40xi32, #tpu.memory_space<hbm>>
        tpu.wait_dma2 semaphore(%dma_wait3A_491 : memref<!tpu.dma_semaphore, #tpu.memory_space<semaphore_mem>>) src(%dma_wait3A_495 : memref<40xi32, #tpu.memory_space<hbm>>) dst(%dma_wait3A_494 : memref<40xi32, #tpu.memory_space<vmem>>)
        %dma_wait3A_496 = arith.constant 0 : i32
        %dma_wait3A_497 = tpu.memref_slice %arg8[%rem3A_397, %dma_wait3A_496] : memref<4x40xi32, #tpu.memory_space<vmem>> -> memref<1x40xi32, #tpu.memory_space<vmem>>
        %dma_wait3A_498 = tpu.memref_squeeze %dma_wait3A_497 : memref<1x40xi32, #tpu.memory_space<vmem>> -> memref<40xi32, #tpu.memory_space<vmem>>
        %dma_wait3A_499 = tpu.memref_slice %arg4[%add3A_482] : memref<320000xi32, #tpu.memory_space<hbm>> -> memref<40xi32, #tpu.memory_space<hbm>>
        %dma_wait3A_500 = tpu.memref_slice %arg15[%rem3A_397] : memref<4x!tpu.dma_semaphore, #tpu.memory_space<semaphore_mem>> -> memref<1x!tpu.dma_semaphore, #tpu.memory_space<semaphore_mem>>
        %dma_wait3A_501 = tpu.memref_squeeze %dma_wait3A_500 : memref<1x!tpu.dma_semaphore, #tpu.memory_space<semaphore_mem>> -> memref<!tpu.dma_semaphore, #tpu.memory_space<semaphore_mem>>
        %dma_wait3A_502 = arith.constant 0 : i32
        %dma_wait3A_503 = tpu.memref_slice %arg8[%rem3A_397, %dma_wait3A_502] : memref<4x40xi32, #tpu.memory_space<vmem>> -> memref<1x40xi32, #tpu.memory_space<vmem>>
        %dma_wait3A_504 = tpu.memref_squeeze %dma_wait3A_503 : memref<1x40xi32, #tpu.memory_space<vmem>> -> memref<40xi32, #tpu.memory_space<vmem>>
        %dma_wait3A_505 = tpu.memref_slice %arg4[%add3A_482] : memref<320000xi32, #tpu.memory_space<hbm>> -> memref<40xi32, #tpu.memory_space<hbm>>
        tpu.wait_dma2 semaphore(%dma_wait3A_501 : memref<!tpu.dma_semaphore, #tpu.memory_space<semaphore_mem>>) src(%dma_wait3A_505 : memref<40xi32, #tpu.memory_space<hbm>>) dst(%dma_wait3A_504 : memref<40xi32, #tpu.memory_space<vmem>>)
        %dma_wait3A_506 = arith.constant 0 : i32
        %dma_wait3A_507 = tpu.memref_slice %arg9[%rem3A_397, %dma_wait3A_506] : memref<4x40xf32, #tpu.memory_space<vmem>> -> memref<1x40xf32, #tpu.memory_space<vmem>>
        %dma_wait3A_508 = tpu.memref_squeeze %dma_wait3A_507 : memref<1x40xf32, #tpu.memory_space<vmem>> -> memref<40xf32, #tpu.memory_space<vmem>>
        %dma_wait3A_509 = tpu.memref_slice %arg5[%add3A_485] : memref<320000xf32, #tpu.memory_space<hbm>> -> memref<40xf32, #tpu.memory_space<hbm>>
        %dma_wait3A_510 = tpu.memref_slice %arg15[%rem3A_397] : memref<4x!tpu.dma_semaphore, #tpu.memory_space<semaphore_mem>> -> memref<1x!tpu.dma_semaphore, #tpu.memory_space<semaphore_mem>>
        %dma_wait3A_511 = tpu.memref_squeeze %dma_wait3A_510 : memref<1x!tpu.dma_semaphore, #tpu.memory_space<semaphore_mem>> -> memref<!tpu.dma_semaphore, #tpu.memory_space<semaphore_mem>>
        %dma_wait3A_512 = arith.constant 0 : i32
        %dma_wait3A_513 = tpu.memref_slice %arg9[%rem3A_397, %dma_wait3A_512] : memref<4x40xf32, #tpu.memory_space<vmem>> -> memref<1x40xf32, #tpu.memory_space<vmem>>
        %dma_wait3A_514 = tpu.memref_squeeze %dma_wait3A_513 : memref<1x40xf32, #tpu.memory_space<vmem>> -> memref<40xf32, #tpu.memory_space<vmem>>
        %dma_wait3A_515 = tpu.memref_slice %arg5[%add3A_485] : memref<320000xf32, #tpu.memory_space<hbm>> -> memref<40xf32, #tpu.memory_space<hbm>>
        tpu.wait_dma2 semaphore(%dma_wait3A_511 : memref<!tpu.dma_semaphore, #tpu.memory_space<semaphore_mem>>) src(%dma_wait3A_515 : memref<40xf32, #tpu.memory_space<hbm>>) dst(%dma_wait3A_514 : memref<40xf32, #tpu.memory_space<vmem>>)
        %add3A_516 = arith.constant 2 : i32
        %add3A_517 = arith.addi %scan3A_392, %add3A_516 : i32
        %dma_start3A_518 = arith.constant 0 : i32
        %dma_start3A_519 = arith.constant 0 : i32
        %dma_start3A_520 = tpu.memref_slice %arg10[%rem3A_397, %dma_start3A_518, %dma_start3A_519] : memref<4x40x128xf32, #tpu.memory_space<vmem>> -> memref<1x40x128xf32, #tpu.memory_space<vmem>>
        %dma_start3A_521 = tpu.memref_squeeze %dma_start3A_520 : memref<1x40x128xf32, #tpu.memory_space<vmem>> -> memref<40x128xf32, #tpu.memory_space<vmem>>
        %dma_start3A_522 = arith.constant 0 : i32
        %dma_start3A_523 = tpu.memref_slice %arg7[%rem3A_397, %dma_start3A_522] : memref<4x40xi32, #tpu.memory_space<vmem>> -> memref<1x40xi32, #tpu.memory_space<vmem>>
        %dma_start3A_524 = tpu.memref_squeeze %dma_start3A_523 : memref<1x40xi32, #tpu.memory_space<vmem>> -> memref<40xi32, #tpu.memory_space<vmem>>
        %dma_start3A_525 = arith.constant 0 : i32
        %dma_start3A_526 = arith.constant 0 : i32
        %dma_start3A_527 = tpu.memref_slice %arg12[%dma_start3A_525, %dma_start3A_526] : memref<10000x128xf32, #tpu.memory_space<vmem_shared>> -> memref<10000x128xf32, #tpu.memory_space<vmem_shared>>
        %dma_start3A_528 = tpu.memref_slice %arg13[%rem3A_397] : memref<4x!tpu.dma_semaphore, #tpu.memory_space<semaphore_mem>> -> memref<1x!tpu.dma_semaphore, #tpu.memory_space<semaphore_mem>>
        %dma_start3A_529 = tpu.memref_squeeze %dma_start3A_528 : memref<1x!tpu.dma_semaphore, #tpu.memory_space<semaphore_mem>> -> memref<!tpu.dma_semaphore, #tpu.memory_space<semaphore_mem>>
        tpu.enqueue_indirect_dma source(%dma_start3A_527 : memref<10000x128xf32, #tpu.memory_space<vmem_shared>>) target(%dma_start3A_521 : memref<40x128xf32, #tpu.memory_space<vmem>>) offsets(%dma_start3A_524 : memref<40xi32, #tpu.memory_space<vmem>>) semaphore(%dma_start3A_529 : memref<!tpu.dma_semaphore, #tpu.memory_space<semaphore_mem>>)
        %dma_start3A_530 = arith.constant 0 : i32
        %dma_start3A_531 = arith.constant 0 : i32
        %dma_start3A_532 = tpu.memref_slice %arg11[%rem3A_397, %dma_start3A_530, %dma_start3A_531] : memref<4x40x128xf32, #tpu.memory_space<vmem>> -> memref<1x40x128xf32, #tpu.memory_space<vmem>>
        %dma_start3A_533 = tpu.memref_squeeze %dma_start3A_532 : memref<1x40x128xf32, #tpu.memory_space<vmem>> -> memref<40x128xf32, #tpu.memory_space<vmem>>
        %dma_start3A_534 = arith.constant 0 : i32
        %dma_start3A_535 = tpu.memref_slice %arg8[%rem3A_397, %dma_start3A_534] : memref<4x40xi32, #tpu.memory_space<vmem>> -> memref<1x40xi32, #tpu.memory_space<vmem>>
        %dma_start3A_536 = tpu.memref_squeeze %dma_start3A_535 : memref<1x40xi32, #tpu.memory_space<vmem>> -> memref<40xi32, #tpu.memory_space<vmem>>
        %dma_start3A_537 = arith.constant 0 : i32
        %dma_start3A_538 = arith.constant 0 : i32
        %dma_start3A_539 = tpu.memref_slice %arg12[%dma_start3A_537, %dma_start3A_538] : memref<10000x128xf32, #tpu.memory_space<vmem_shared>> -> memref<10000x128xf32, #tpu.memory_space<vmem_shared>>
        %dma_start3A_540 = tpu.memref_slice %arg13[%rem3A_397] : memref<4x!tpu.dma_semaphore, #tpu.memory_space<semaphore_mem>> -> memref<1x!tpu.dma_semaphore, #tpu.memory_space<semaphore_mem>>
        %dma_start3A_541 = tpu.memref_squeeze %dma_start3A_540 : memref<1x!tpu.dma_semaphore, #tpu.memory_space<semaphore_mem>> -> memref<!tpu.dma_semaphore, #tpu.memory_space<semaphore_mem>>
        tpu.enqueue_indirect_dma source(%dma_start3A_539 : memref<10000x128xf32, #tpu.memory_space<vmem_shared>>) target(%dma_start3A_533 : memref<40x128xf32, #tpu.memory_space<vmem>>) offsets(%dma_start3A_536 : memref<40xi32, #tpu.memory_space<vmem>>) semaphore(%dma_start3A_541 : memref<!tpu.dma_semaphore, #tpu.memory_space<semaphore_mem>>)
      } else {
      }
      %dma_wait3A_408 = arith.constant 0 : i32
      %dma_wait3A_409 = arith.constant 0 : i32
      %dma_wait3A_410 = tpu.memref_slice %arg10[%rem3A_393, %dma_wait3A_408, %dma_wait3A_409] : memref<4x40x128xf32, #tpu.memory_space<vmem>> -> memref<1x40x128xf32, #tpu.memory_space<vmem>>
      %dma_wait3A_411 = tpu.memref_squeeze %dma_wait3A_410 : memref<1x40x128xf32, #tpu.memory_space<vmem>> -> memref<40x128xf32, #tpu.memory_space<vmem>>
      %dma_wait3A_412 = arith.constant 0 : i32
      %dma_wait3A_413 = tpu.memref_slice %arg7[%rem3A_393, %dma_wait3A_412] : memref<4x40xi32, #tpu.memory_space<vmem>> -> memref<1x40xi32, #tpu.memory_space<vmem>>
      %dma_wait3A_414 = tpu.memref_squeeze %dma_wait3A_413 : memref<1x40xi32, #tpu.memory_space<vmem>> -> memref<40xi32, #tpu.memory_space<vmem>>
      %dma_wait3A_415 = arith.constant 0 : i32
      %dma_wait3A_416 = arith.constant 0 : i32
      %dma_wait3A_417 = tpu.memref_slice %arg12[%dma_wait3A_415, %dma_wait3A_416] : memref<10000x128xf32, #tpu.memory_space<vmem_shared>> -> memref<10000x128xf32, #tpu.memory_space<vmem_shared>>
      %dma_wait3A_418 = tpu.memref_slice %arg13[%rem3A_393] : memref<4x!tpu.dma_semaphore, #tpu.memory_space<semaphore_mem>> -> memref<1x!tpu.dma_semaphore, #tpu.memory_space<semaphore_mem>>
      %dma_wait3A_419 = tpu.memref_squeeze %dma_wait3A_418 : memref<1x!tpu.dma_semaphore, #tpu.memory_space<semaphore_mem>> -> memref<!tpu.dma_semaphore, #tpu.memory_space<semaphore_mem>>
      tpu.wait_indirect_dma semaphore(%dma_wait3A_419 : memref<!tpu.dma_semaphore, #tpu.memory_space<semaphore_mem>>) src(%dma_wait3A_417 : memref<10000x128xf32, #tpu.memory_space<vmem_shared>>) dst(%dma_wait3A_411 : memref<40x128xf32, #tpu.memory_space<vmem>>)
      %dma_wait3A_420 = arith.constant 0 : i32
      %dma_wait3A_421 = arith.constant 0 : i32
      %dma_wait3A_422 = tpu.memref_slice %arg11[%rem3A_393, %dma_wait3A_420, %dma_wait3A_421] : memref<4x40x128xf32, #tpu.memory_space<vmem>> -> memref<1x40x128xf32, #tpu.memory_space<vmem>>
      %dma_wait3A_423 = tpu.memref_squeeze %dma_wait3A_422 : memref<1x40x128xf32, #tpu.memory_space<vmem>> -> memref<40x128xf32, #tpu.memory_space<vmem>>
      %dma_wait3A_424 = arith.constant 0 : i32
      %dma_wait3A_425 = tpu.memref_slice %arg8[%rem3A_393, %dma_wait3A_424] : memref<4x40xi32, #tpu.memory_space<vmem>> -> memref<1x40xi32, #tpu.memory_space<vmem>>
      %dma_wait3A_426 = tpu.memref_squeeze %dma_wait3A_425 : memref<1x40xi32, #tpu.memory_space<vmem>> -> memref<40xi32, #tpu.memory_space<vmem>>
      %dma_wait3A_427 = arith.constant 0 : i32
      %dma_wait3A_428 = arith.constant 0 : i32
      %dma_wait3A_429 = tpu.memref_slice %arg12[%dma_wait3A_427, %dma_wait3A_428] : memref<10000x128xf32, #tpu.memory_space<vmem_shared>> -> memref<10000x128xf32, #tpu.memory_space<vmem_shared>>
      %dma_wait3A_430 = tpu.memref_slice %arg13[%rem3A_393] : memref<4x!tpu.dma_semaphore, #tpu.memory_space<semaphore_mem>> -> memref<1x!tpu.dma_semaphore, #tpu.memory_space<semaphore_mem>>
      %dma_wait3A_431 = tpu.memref_squeeze %dma_wait3A_430 : memref<1x!tpu.dma_semaphore, #tpu.memory_space<semaphore_mem>> -> memref<!tpu.dma_semaphore, #tpu.memory_space<semaphore_mem>>
      tpu.wait_indirect_dma semaphore(%dma_wait3A_431 : memref<!tpu.dma_semaphore, #tpu.memory_space<semaphore_mem>>) src(%dma_wait3A_429 : memref<10000x128xf32, #tpu.memory_space<vmem_shared>>) dst(%dma_wait3A_423 : memref<40x128xf32, #tpu.memory_space<vmem>>)
      %parallel_loop3A = arith.constant 0 : i32
      %parallel_loop3A_432 = arith.constant 40 : i32
      %parallel_loop3A_433 = arith.constant 1 : i32
      scf.for %parallel_loop3A_475 = %parallel_loop3A to %parallel_loop3A_432 step %parallel_loop3A_433  : i32 {
        %parallel_loop3A_476 = vector.broadcast %parallel_loop3A_475 : i32 to vector<16xi32>
        %parallel_loop3A_477 = arith.constant 0 : i32
        %parallel_loop3A_478 = tpu.memref_slice %arg9[%rem3A_393, %parallel_loop3A_477] : memref<4x40xf32, #tpu.memory_space<vmem>> -> memref<1x40xf32, #tpu.memory_space<vmem>>
        %parallel_loop3A_479 = tpu.memref_squeeze %parallel_loop3A_478 : memref<1x40xf32, #tpu.memory_space<vmem>> -> memref<40xf32, #tpu.memory_space<vmem>>
        %parallel_loop3A_480 = tpu.vector_load_idx %parallel_loop3A_479[%parallel_loop3A_476] : memref<40xf32, #tpu.memory_space<vmem>>[vector<16xi32>], vector<16xf32>,
        %parallel_loop3A_481 = arith.index_cast %rem3A_393 : i32 to index
        %parallel_loop3A_482 = arith.index_cast %parallel_loop3A_475 : i32 to index
        %parallel_loop3A_483 = arith.constant 0 : index
        %parallel_loop3A_484 = tpu.vector_load %arg10[%parallel_loop3A_481, %parallel_loop3A_482, %parallel_loop3A_483] {strides = array<i32>} : memref<4x40x128xf32, #tpu.memory_space<vmem>>, vector<16xf32>,
        %parallel_loop3A_485 = arith.mulf %parallel_loop3A_484, %parallel_loop3A_480 : vector<16xf32>
        %parallel_loop3A_486 = arith.index_cast %rem3A_393 : i32 to index
        %parallel_loop3A_487 = arith.index_cast %parallel_loop3A_475 : i32 to index
        %parallel_loop3A_488 = arith.constant 0 : index
        %parallel_loop3A_489 = tpu.vector_load %arg10[%parallel_loop3A_486, %parallel_loop3A_487, %parallel_loop3A_488] {strides = array<i32>} : memref<4x40x128xf32, #tpu.memory_space<vmem>>, vector<16xf32>,
        tpu.vector_store %arg10[%parallel_loop3A_486, %parallel_loop3A_487, %parallel_loop3A_488], %parallel_loop3A_485 {strides = array<i32>} : memref<4x40x128xf32, #tpu.memory_space<vmem>>, vector<16xf32>,
        %parallel_loop3A_490 = arith.index_cast %rem3A_393 : i32 to index
        %parallel_loop3A_491 = arith.index_cast %parallel_loop3A_475 : i32 to index
        %parallel_loop3A_492 = arith.constant 0 : index
        %parallel_loop3A_493 = tpu.vector_load %arg11[%parallel_loop3A_490, %parallel_loop3A_491, %parallel_loop3A_492] {strides = array<i32>} : memref<4x40x128xf32, #tpu.memory_space<vmem>>, vector<16xf32>,
        %parallel_loop3A_494 = arith.mulf %parallel_loop3A_493, %parallel_loop3A_480 : vector<16xf32>
        %parallel_loop3A_495 = arith.index_cast %rem3A_393 : i32 to index
        %parallel_loop3A_496 = arith.index_cast %parallel_loop3A_475 : i32 to index
        %parallel_loop3A_497 = arith.constant 0 : index
        %parallel_loop3A_498 = tpu.vector_load %arg11[%parallel_loop3A_495, %parallel_loop3A_496, %parallel_loop3A_497] {strides = array<i32>} : memref<4x40x128xf32, #tpu.memory_space<vmem>>, vector<16xf32>,
        tpu.vector_store %arg11[%parallel_loop3A_495, %parallel_loop3A_496, %parallel_loop3A_497], %parallel_loop3A_494 {strides = array<i32>} : memref<4x40x128xf32, #tpu.memory_space<vmem>>, vector<16xf32>,
        %parallel_loop3A_499 = arith.index_cast %rem3A_393 : i32 to index
        %parallel_loop3A_500 = arith.index_cast %parallel_loop3A_475 : i32 to index
        %parallel_loop3A_501 = arith.constant 16 : index
        %parallel_loop3A_502 = tpu.vector_load %arg10[%parallel_loop3A_499, %parallel_loop3A_500, %parallel_loop3A_501] {strides = array<i32>} : memref<4x40x128xf32, #tpu.memory_space<vmem>>, vector<16xf32>,
        %parallel_loop3A_503 = arith.mulf %parallel_loop3A_502, %parallel_loop3A_480 : vector<16xf32>
        %parallel_loop3A_504 = arith.index_cast %rem3A_393 : i32 to index
        %parallel_loop3A_505 = arith.index_cast %parallel_loop3A_475 : i32 to index
        %parallel_loop3A_506 = arith.constant 16 : index
        %parallel_loop3A_507 = tpu.vector_load %arg10[%parallel_loop3A_504, %parallel_loop3A_505, %parallel_loop3A_506] {strides = array<i32>} : memref<4x40x128xf32, #tpu.memory_space<vmem>>, vector<16xf32>,
        tpu.vector_store %arg10[%parallel_loop3A_504, %parallel_loop3A_505, %parallel_loop3A_506], %parallel_loop3A_503 {strides = array<i32>} : memref<4x40x128xf32, #tpu.memory_space<vmem>>, vector<16xf32>,
        %parallel_loop3A_508 = arith.index_cast %rem3A_393 : i32 to index
        %parallel_loop3A_509 = arith.index_cast %parallel_loop3A_475 : i32 to index
        %parallel_loop3A_510 = arith.constant 16 : index
        %parallel_loop3A_511 = tpu.vector_load %arg11[%parallel_loop3A_508, %parallel_loop3A_509, %parallel_loop3A_510] {strides = array<i32>} : memref<4x40x128xf32, #tpu.memory_space<vmem>>, vector<16xf32>,
        %parallel_loop3A_512 = arith.mulf %parallel_loop3A_511, %parallel_loop3A_480 : vector<16xf32>
        %parallel_loop3A_513 = arith.index_cast %rem3A_393 : i32 to index
        %parallel_loop3A_514 = arith.index_cast %parallel_loop3A_475 : i32 to index
        %parallel_loop3A_515 = arith.constant 16 : index
        %parallel_loop3A_516 = tpu.vector_load %arg11[%parallel_loop3A_513, %parallel_loop3A_514, %parallel_loop3A_515] {strides = array<i32>} : memref<4x40x128xf32, #tpu.memory_space<vmem>>, vector<16xf32>,
        tpu.vector_store %arg11[%parallel_loop3A_513, %parallel_loop3A_514, %parallel_loop3A_515], %parallel_loop3A_512 {strides = array<i32>} : memref<4x40x128xf32, #tpu.memory_space<vmem>>, vector<16xf32>,
        %parallel_loop3A_517 = arith.index_cast %rem3A_393 : i32 to index
        %parallel_loop3A_518 = arith.index_cast %parallel_loop3A_475 : i32 to index
        %parallel_loop3A_519 = arith.constant 32 : index
        %parallel_loop3A_520 = tpu.vector_load %arg10[%parallel_loop3A_517, %parallel_loop3A_518, %parallel_loop3A_519] {strides = array<i32>} : memref<4x40x128xf32, #tpu.memory_space<vmem>>, vector<16xf32>,
        %parallel_loop3A_521 = arith.mulf %parallel_loop3A_520, %parallel_loop3A_480 : vector<16xf32>
        %parallel_loop3A_522 = arith.index_cast %rem3A_393 : i32 to index
        %parallel_loop3A_523 = arith.index_cast %parallel_loop3A_475 : i32 to index
        %parallel_loop3A_524 = arith.constant 32 : index
        %parallel_loop3A_525 = tpu.vector_load %arg10[%parallel_loop3A_522, %parallel_loop3A_523, %parallel_loop3A_524] {strides = array<i32>} : memref<4x40x128xf32, #tpu.memory_space<vmem>>, vector<16xf32>,
        tpu.vector_store %arg10[%parallel_loop3A_522, %parallel_loop3A_523, %parallel_loop3A_524], %parallel_loop3A_521 {strides = array<i32>} : memref<4x40x128xf32, #tpu.memory_space<vmem>>, vector<16xf32>,
        %parallel_loop3A_526 = arith.index_cast %rem3A_393 : i32 to index
        %parallel_loop3A_527 = arith.index_cast %parallel_loop3A_475 : i32 to index
        %parallel_loop3A_528 = arith.constant 32 : index
        %parallel_loop3A_529 = tpu.vector_load %arg11[%parallel_loop3A_526, %parallel_loop3A_527, %parallel_loop3A_528] {strides = array<i32>} : memref<4x40x128xf32, #tpu.memory_space<vmem>>, vector<16xf32>,
        %parallel_loop3A_530 = arith.mulf %parallel_loop3A_529, %parallel_loop3A_480 : vector<16xf32>
        %parallel_loop3A_531 = arith.index_cast %rem3A_393 : i32 to index
        %parallel_loop3A_532 = arith.index_cast %parallel_loop3A_475 : i32 to index
        %parallel_loop3A_533 = arith.constant 32 : index
        %parallel_loop3A_534 = tpu.vector_load %arg11[%parallel_loop3A_531, %parallel_loop3A_532, %parallel_loop3A_533] {strides = array<i32>} : memref<4x40x128xf32, #tpu.memory_space<vmem>>, vector<16xf32>,
        tpu.vector_store %arg11[%parallel_loop3A_531, %parallel_loop3A_532, %parallel_loop3A_533], %parallel_loop3A_530 {strides = array<i32>} : memref<4x40x128xf32, #tpu.memory_space<vmem>>, vector<16xf32>,
        %parallel_loop3A_535 = arith.index_cast %rem3A_393 : i32 to index
        %parallel_loop3A_536 = arith.index_cast %parallel_loop3A_475 : i32 to index
        %parallel_loop3A_537 = arith.constant 48 : index
        %parallel_loop3A_538 = tpu.vector_load %arg10[%parallel_loop3A_535, %parallel_loop3A_536, %parallel_loop3A_537] {strides = array<i32>} : memref<4x40x128xf32, #tpu.memory_space<vmem>>, vector<16xf32>,
        %parallel_loop3A_539 = arith.mulf %parallel_loop3A_538, %parallel_loop3A_480 : vector<16xf32>
        %parallel_loop3A_540 = arith.index_cast %rem3A_393 : i32 to index
        %parallel_loop3A_541 = arith.index_cast %parallel_loop3A_475 : i32 to index
        %parallel_loop3A_542 = arith.constant 48 : index
        %parallel_loop3A_543 = tpu.vector_load %arg10[%parallel_loop3A_540, %parallel_loop3A_541, %parallel_loop3A_542] {strides = array<i32>} : memref<4x40x128xf32, #tpu.memory_space<vmem>>, vector<16xf32>,
        tpu.vector_store %arg10[%parallel_loop3A_540, %parallel_loop3A_541, %parallel_loop3A_542], %parallel_loop3A_539 {strides = array<i32>} : memref<4x40x128xf32, #tpu.memory_space<vmem>>, vector<16xf32>,
        %parallel_loop3A_544 = arith.index_cast %rem3A_393 : i32 to index
        %parallel_loop3A_545 = arith.index_cast %parallel_loop3A_475 : i32 to index
        %parallel_loop3A_546 = arith.constant 48 : index
        %parallel_loop3A_547 = tpu.vector_load %arg11[%parallel_loop3A_544, %parallel_loop3A_545, %parallel_loop3A_546] {strides = array<i32>} : memref<4x40x128xf32, #tpu.memory_space<vmem>>, vector<16xf32>,
        %parallel_loop3A_548 = arith.mulf %parallel_loop3A_547, %parallel_loop3A_480 : vector<16xf32>
        %parallel_loop3A_549 = arith.index_cast %rem3A_393 : i32 to index
        %parallel_loop3A_550 = arith.index_cast %parallel_loop3A_475 : i32 to index
        %parallel_loop3A_551 = arith.constant 48 : index
        %parallel_loop3A_552 = tpu.vector_load %arg11[%parallel_loop3A_549, %parallel_loop3A_550, %parallel_loop3A_551] {strides = array<i32>} : memref<4x40x128xf32, #tpu.memory_space<vmem>>, vector<16xf32>,
        tpu.vector_store %arg11[%parallel_loop3A_549, %parallel_loop3A_550, %parallel_loop3A_551], %parallel_loop3A_548 {strides = array<i32>} : memref<4x40x128xf32, #tpu.memory_space<vmem>>, vector<16xf32>,
        %parallel_loop3A_553 = arith.index_cast %rem3A_393 : i32 to index
        %parallel_loop3A_554 = arith.index_cast %parallel_loop3A_475 : i32 to index
        %parallel_loop3A_555 = arith.constant 64 : index
        %parallel_loop3A_556 = tpu.vector_load %arg10[%parallel_loop3A_553, %parallel_loop3A_554, %parallel_loop3A_555] {strides = array<i32>} : memref<4x40x128xf32, #tpu.memory_space<vmem>>, vector<16xf32>,
        %parallel_loop3A_557 = arith.mulf %parallel_loop3A_556, %parallel_loop3A_480 : vector<16xf32>
        %parallel_loop3A_558 = arith.index_cast %rem3A_393 : i32 to index
        %parallel_loop3A_559 = arith.index_cast %parallel_loop3A_475 : i32 to index
        %parallel_loop3A_560 = arith.constant 64 : index
        %parallel_loop3A_561 = tpu.vector_load %arg10[%parallel_loop3A_558, %parallel_loop3A_559, %parallel_loop3A_560] {strides = array<i32>} : memref<4x40x128xf32, #tpu.memory_space<vmem>>, vector<16xf32>,
        tpu.vector_store %arg10[%parallel_loop3A_558, %parallel_loop3A_559, %parallel_loop3A_560], %parallel_loop3A_557 {strides = array<i32>} : memref<4x40x128xf32, #tpu.memory_space<vmem>>, vector<16xf32>,
        %parallel_loop3A_562 = arith.index_cast %rem3A_393 : i32 to index
        %parallel_loop3A_563 = arith.index_cast %parallel_loop3A_475 : i32 to index
        %parallel_loop3A_564 = arith.constant 64 : index
        %parallel_loop3A_565 = tpu.vector_load %arg11[%parallel_loop3A_562, %parallel_loop3A_563, %parallel_loop3A_564] {strides = array<i32>} : memref<4x40x128xf32, #tpu.memory_space<vmem>>, vector<16xf32>,
        %parallel_loop3A_566 = arith.mulf %parallel_loop3A_565, %parallel_loop3A_480 : vector<16xf32>
        %parallel_loop3A_567 = arith.index_cast %rem3A_393 : i32 to index
        %parallel_loop3A_568 = arith.index_cast %parallel_loop3A_475 : i32 to index
        %parallel_loop3A_569 = arith.constant 64 : index
        %parallel_loop3A_570 = tpu.vector_load %arg11[%parallel_loop3A_567, %parallel_loop3A_568, %parallel_loop3A_569] {strides = array<i32>} : memref<4x40x128xf32, #tpu.memory_space<vmem>>, vector<16xf32>,
        tpu.vector_store %arg11[%parallel_loop3A_567, %parallel_loop3A_568, %parallel_loop3A_569], %parallel_loop3A_566 {strides = array<i32>} : memref<4x40x128xf32, #tpu.memory_space<vmem>>, vector<16xf32>,
        %parallel_loop3A_571 = arith.index_cast %rem3A_393 : i32 to index
        %parallel_loop3A_572 = arith.index_cast %parallel_loop3A_475 : i32 to index
        %parallel_loop3A_573 = arith.constant 80 : index
        %parallel_loop3A_574 = tpu.vector_load %arg10[%parallel_loop3A_571, %parallel_loop3A_572, %parallel_loop3A_573] {strides = array<i32>} : memref<4x40x128xf32, #tpu.memory_space<vmem>>, vector<16xf32>,
        %parallel_loop3A_575 = arith.mulf %parallel_loop3A_574, %parallel_loop3A_480 : vector<16xf32>
        %parallel_loop3A_576 = arith.index_cast %rem3A_393 : i32 to index
        %parallel_loop3A_577 = arith.index_cast %parallel_loop3A_475 : i32 to index
        %parallel_loop3A_578 = arith.constant 80 : index
        %parallel_loop3A_579 = tpu.vector_load %arg10[%parallel_loop3A_576, %parallel_loop3A_577, %parallel_loop3A_578] {strides = array<i32>} : memref<4x40x128xf32, #tpu.memory_space<vmem>>, vector<16xf32>,
        tpu.vector_store %arg10[%parallel_loop3A_576, %parallel_loop3A_577, %parallel_loop3A_578], %parallel_loop3A_575 {strides = array<i32>} : memref<4x40x128xf32, #tpu.memory_space<vmem>>, vector<16xf32>,
        %parallel_loop3A_580 = arith.index_cast %rem3A_393 : i32 to index
        %parallel_loop3A_581 = arith.index_cast %parallel_loop3A_475 : i32 to index
        %parallel_loop3A_582 = arith.constant 80 : index
        %parallel_loop3A_583 = tpu.vector_load %arg11[%parallel_loop3A_580, %parallel_loop3A_581, %parallel_loop3A_582] {strides = array<i32>} : memref<4x40x128xf32, #tpu.memory_space<vmem>>, vector<16xf32>,
        %parallel_loop3A_584 = arith.mulf %parallel_loop3A_583, %parallel_loop3A_480 : vector<16xf32>
        %parallel_loop3A_585 = arith.index_cast %rem3A_393 : i32 to index
        %parallel_loop3A_586 = arith.index_cast %parallel_loop3A_475 : i32 to index
        %parallel_loop3A_587 = arith.constant 80 : index
        %parallel_loop3A_588 = tpu.vector_load %arg11[%parallel_loop3A_585, %parallel_loop3A_586, %parallel_loop3A_587] {strides = array<i32>} : memref<4x40x128xf32, #tpu.memory_space<vmem>>, vector<16xf32>,
        tpu.vector_store %arg11[%parallel_loop3A_585, %parallel_loop3A_586, %parallel_loop3A_587], %parallel_loop3A_584 {strides = array<i32>} : memref<4x40x128xf32, #tpu.memory_space<vmem>>, vector<16xf32>,
        %parallel_loop3A_589 = arith.index_cast %rem3A_393 : i32 to index
        %parallel_loop3A_590 = arith.index_cast %parallel_loop3A_475 : i32 to index
        %parallel_loop3A_591 = arith.constant 96 : index
        %parallel_loop3A_592 = tpu.vector_load %arg10[%parallel_loop3A_589, %parallel_loop3A_590, %parallel_loop3A_591] {strides = array<i32>} : memref<4x40x128xf32, #tpu.memory_space<vmem>>, vector<16xf32>,
        %parallel_loop3A_593 = arith.mulf %parallel_loop3A_592, %parallel_loop3A_480 : vector<16xf32>
        %parallel_loop3A_594 = arith.index_cast %rem3A_393 : i32 to index
        %parallel_loop3A_595 = arith.index_cast %parallel_loop3A_475 : i32 to index
        %parallel_loop3A_596 = arith.constant 96 : index
        %parallel_loop3A_597 = tpu.vector_load %arg10[%parallel_loop3A_594, %parallel_loop3A_595, %parallel_loop3A_596] {strides = array<i32>} : memref<4x40x128xf32, #tpu.memory_space<vmem>>, vector<16xf32>,
        tpu.vector_store %arg10[%parallel_loop3A_594, %parallel_loop3A_595, %parallel_loop3A_596], %parallel_loop3A_593 {strides = array<i32>} : memref<4x40x128xf32, #tpu.memory_space<vmem>>, vector<16xf32>,
        %parallel_loop3A_598 = arith.index_cast %rem3A_393 : i32 to index
        %parallel_loop3A_599 = arith.index_cast %parallel_loop3A_475 : i32 to index
        %parallel_loop3A_600 = arith.constant 96 : index
        %parallel_loop3A_601 = tpu.vector_load %arg11[%parallel_loop3A_598, %parallel_loop3A_599, %parallel_loop3A_600] {strides = array<i32>} : memref<4x40x128xf32, #tpu.memory_space<vmem>>, vector<16xf32>,
        %parallel_loop3A_602 = arith.mulf %parallel_loop3A_601, %parallel_loop3A_480 : vector<16xf32>
        %parallel_loop3A_603 = arith.index_cast %rem3A_393 : i32 to index
        %parallel_loop3A_604 = arith.index_cast %parallel_loop3A_475 : i32 to index
        %parallel_loop3A_605 = arith.constant 96 : index
        %parallel_loop3A_606 = tpu.vector_load %arg11[%parallel_loop3A_603, %parallel_loop3A_604, %parallel_loop3A_605] {strides = array<i32>} : memref<4x40x128xf32, #tpu.memory_space<vmem>>, vector<16xf32>,
        tpu.vector_store %arg11[%parallel_loop3A_603, %parallel_loop3A_604, %parallel_loop3A_605], %parallel_loop3A_602 {strides = array<i32>} : memref<4x40x128xf32, #tpu.memory_space<vmem>>, vector<16xf32>,
        %parallel_loop3A_607 = arith.index_cast %rem3A_393 : i32 to index
        %parallel_loop3A_608 = arith.index_cast %parallel_loop3A_475 : i32 to index
        %parallel_loop3A_609 = arith.constant 112 : index
        %parallel_loop3A_610 = tpu.vector_load %arg10[%parallel_loop3A_607, %parallel_loop3A_608, %parallel_loop3A_609] {strides = array<i32>} : memref<4x40x128xf32, #tpu.memory_space<vmem>>, vector<16xf32>,
        %parallel_loop3A_611 = arith.mulf %parallel_loop3A_610, %parallel_loop3A_480 : vector<16xf32>
        %parallel_loop3A_612 = arith.index_cast %rem3A_393 : i32 to index
        %parallel_loop3A_613 = arith.index_cast %parallel_loop3A_475 : i32 to index
        %parallel_loop3A_614 = arith.constant 112 : index
        %parallel_loop3A_615 = tpu.vector_load %arg10[%parallel_loop3A_612, %parallel_loop3A_613, %parallel_loop3A_614] {strides = array<i32>} : memref<4x40x128xf32, #tpu.memory_space<vmem>>, vector<16xf32>,
        tpu.vector_store %arg10[%parallel_loop3A_612, %parallel_loop3A_613, %parallel_loop3A_614], %parallel_loop3A_611 {strides = array<i32>} : memref<4x40x128xf32, #tpu.memory_space<vmem>>, vector<16xf32>,
        %parallel_loop3A_616 = arith.index_cast %rem3A_393 : i32 to index
        %parallel_loop3A_617 = arith.index_cast %parallel_loop3A_475 : i32 to index
        %parallel_loop3A_618 = arith.constant 112 : index
        %parallel_loop3A_619 = tpu.vector_load %arg11[%parallel_loop3A_616, %parallel_loop3A_617, %parallel_loop3A_618] {strides = array<i32>} : memref<4x40x128xf32, #tpu.memory_space<vmem>>, vector<16xf32>,
        %parallel_loop3A_620 = arith.mulf %parallel_loop3A_619, %parallel_loop3A_480 : vector<16xf32>
        %parallel_loop3A_621 = arith.index_cast %rem3A_393 : i32 to index
        %parallel_loop3A_622 = arith.index_cast %parallel_loop3A_475 : i32 to index
        %parallel_loop3A_623 = arith.constant 112 : index
        %parallel_loop3A_624 = tpu.vector_load %arg11[%parallel_loop3A_621, %parallel_loop3A_622, %parallel_loop3A_623] {strides = array<i32>} : memref<4x40x128xf32, #tpu.memory_space<vmem>>, vector<16xf32>,
        tpu.vector_store %arg11[%parallel_loop3A_621, %parallel_loop3A_622, %parallel_loop3A_623], %parallel_loop3A_620 {strides = array<i32>} : memref<4x40x128xf32, #tpu.memory_space<vmem>>, vector<16xf32>,
      } {sc.loop_unroll_factor = 4 : i64, sc.parallel_access}
      %add3A_434 = arith.constant 4 : i32
      %add3A_435 = arith.addi %scan3A_392, %add3A_434 : i32
      %lt3A_436 = arith.constant 250 : i32
      %lt3A_437 = arith.cmpi slt, %add3A_435, %lt3A_436 : i32
      %convert_element_type3A_438 = arith.extui %lt3A_437 : i1 to i32
      %cond3A_439 = arith.constant 0 : i32
      %cond3A_440 = arith.cmpi ne, %convert_element_type3A_438, %cond3A_439 : i32
      scf.if %cond3A_440 {
        %add3A_475 = arith.constant 4 : i32
        %add3A_476 = arith.addi %scan3A_392, %add3A_475 : i32
        %mul3A_477 = arith.constant 40 : i32
        %mul3A_478 = arith.muli %add3A_476, %mul3A_477 : i32
        %add3A_479 = arith.addi %mul3A_2, %mul3A_478 : i32
        %mul3A_480 = arith.constant 40 : i32
        %mul3A_481 = arith.muli %add3A_476, %mul3A_480 : i32
        %add3A_482 = arith.addi %mul3A_2, %mul3A_481 : i32
        %mul3A_483 = arith.constant 40 : i32
        %mul3A_484 = arith.muli %add3A_476, %mul3A_483 : i32
        %add3A_485 = arith.addi %mul3A_2, %mul3A_484 : i32
        %dma_start3A_486 = arith.constant 0 : i32
        %dma_start3A_487 = tpu.memref_slice %arg7[%rem3A_393, %dma_start3A_486] : memref<4x40xi32, #tpu.memory_space<vmem>> -> memref<1x40xi32, #tpu.memory_space<vmem>>
        %dma_start3A_488 = tpu.memref_squeeze %dma_start3A_487 : memref<1x40xi32, #tpu.memory_space<vmem>> -> memref<40xi32, #tpu.memory_space<vmem>>
        %dma_start3A_489 = tpu.memref_slice %arg3[%add3A_479] : memref<320000xi32, #tpu.memory_space<hbm>> -> memref<40xi32, #tpu.memory_space<hbm>>
        %dma_start3A_490 = tpu.memref_slice %arg15[%rem3A_393] : memref<4x!tpu.dma_semaphore, #tpu.memory_space<semaphore_mem>> -> memref<1x!tpu.dma_semaphore, #tpu.memory_space<semaphore_mem>>
        %dma_start3A_491 = tpu.memref_squeeze %dma_start3A_490 : memref<1x!tpu.dma_semaphore, #tpu.memory_space<semaphore_mem>> -> memref<!tpu.dma_semaphore, #tpu.memory_space<semaphore_mem>>
        %dma_start3A_492 = arith.constant 0 : i32
        %dma_start3A_493 = tpu.memref_slice %arg7[%rem3A_393, %dma_start3A_492] : memref<4x40xi32, #tpu.memory_space<vmem>> -> memref<1x40xi32, #tpu.memory_space<vmem>>
        %dma_start3A_494 = tpu.memref_squeeze %dma_start3A_493 : memref<1x40xi32, #tpu.memory_space<vmem>> -> memref<40xi32, #tpu.memory_space<vmem>>
        %dma_start3A_495 = tpu.memref_slice %arg3[%add3A_479] : memref<320000xi32, #tpu.memory_space<hbm>> -> memref<40xi32, #tpu.memory_space<hbm>>
        tpu.enqueue_dma source(%dma_start3A_495 : memref<40xi32, #tpu.memory_space<hbm>>) target(%dma_start3A_494 : memref<40xi32, #tpu.memory_space<vmem>>) target_semaphore(%dma_start3A_491 : memref<!tpu.dma_semaphore, #tpu.memory_space<semaphore_mem>>)
        %dma_start3A_496 = arith.constant 0 : i32
        %dma_start3A_497 = tpu.memref_slice %arg8[%rem3A_393, %dma_start3A_496] : memref<4x40xi32, #tpu.memory_space<vmem>> -> memref<1x40xi32, #tpu.memory_space<vmem>>
        %dma_start3A_498 = tpu.memref_squeeze %dma_start3A_497 : memref<1x40xi32, #tpu.memory_space<vmem>> -> memref<40xi32, #tpu.memory_space<vmem>>
        %dma_start3A_499 = tpu.memref_slice %arg4[%add3A_482] : memref<320000xi32, #tpu.memory_space<hbm>> -> memref<40xi32, #tpu.memory_space<hbm>>
        %dma_start3A_500 = tpu.memref_slice %arg15[%rem3A_393] : memref<4x!tpu.dma_semaphore, #tpu.memory_space<semaphore_mem>> -> memref<1x!tpu.dma_semaphore, #tpu.memory_space<semaphore_mem>>
        %dma_start3A_501 = tpu.memref_squeeze %dma_start3A_500 : memref<1x!tpu.dma_semaphore, #tpu.memory_space<semaphore_mem>> -> memref<!tpu.dma_semaphore, #tpu.memory_space<semaphore_mem>>
        %dma_start3A_502 = arith.constant 0 : i32
        %dma_start3A_503 = tpu.memref_slice %arg8[%rem3A_393, %dma_start3A_502] : memref<4x40xi32, #tpu.memory_space<vmem>> -> memref<1x40xi32, #tpu.memory_space<vmem>>
        %dma_start3A_504 = tpu.memref_squeeze %dma_start3A_503 : memref<1x40xi32, #tpu.memory_space<vmem>> -> memref<40xi32, #tpu.memory_space<vmem>>
        %dma_start3A_505 = tpu.memref_slice %arg4[%add3A_482] : memref<320000xi32, #tpu.memory_space<hbm>> -> memref<40xi32, #tpu.memory_space<hbm>>
        tpu.enqueue_dma source(%dma_start3A_505 : memref<40xi32, #tpu.memory_space<hbm>>) target(%dma_start3A_504 : memref<40xi32, #tpu.memory_space<vmem>>) target_semaphore(%dma_start3A_501 : memref<!tpu.dma_semaphore, #tpu.memory_space<semaphore_mem>>)
        %dma_start3A_506 = arith.constant 0 : i32
        %dma_start3A_507 = tpu.memref_slice %arg9[%rem3A_393, %dma_start3A_506] : memref<4x40xf32, #tpu.memory_space<vmem>> -> memref<1x40xf32, #tpu.memory_space<vmem>>
        %dma_start3A_508 = tpu.memref_squeeze %dma_start3A_507 : memref<1x40xf32, #tpu.memory_space<vmem>> -> memref<40xf32, #tpu.memory_space<vmem>>
        %dma_start3A_509 = tpu.memref_slice %arg5[%add3A_485] : memref<320000xf32, #tpu.memory_space<hbm>> -> memref<40xf32, #tpu.memory_space<hbm>>
        %dma_start3A_510 = tpu.memref_slice %arg15[%rem3A_393] : memref<4x!tpu.dma_semaphore, #tpu.memory_space<semaphore_mem>> -> memref<1x!tpu.dma_semaphore, #tpu.memory_space<semaphore_mem>>
        %dma_start3A_511 = tpu.memref_squeeze %dma_start3A_510 : memref<1x!tpu.dma_semaphore, #tpu.memory_space<semaphore_mem>> -> memref<!tpu.dma_semaphore, #tpu.memory_space<semaphore_mem>>
        %dma_start3A_512 = arith.constant 0 : i32
        %dma_start3A_513 = tpu.memref_slice %arg9[%rem3A_393, %dma_start3A_512] : memref<4x40xf32, #tpu.memory_space<vmem>> -> memref<1x40xf32, #tpu.memory_space<vmem>>
        %dma_start3A_514 = tpu.memref_squeeze %dma_start3A_513 : memref<1x40xf32, #tpu.memory_space<vmem>> -> memref<40xf32, #tpu.memory_space<vmem>>
        %dma_start3A_515 = tpu.memref_slice %arg5[%add3A_485] : memref<320000xf32, #tpu.memory_space<hbm>> -> memref<40xf32, #tpu.memory_space<hbm>>
        tpu.enqueue_dma source(%dma_start3A_515 : memref<40xf32, #tpu.memory_space<hbm>>) target(%dma_start3A_514 : memref<40xf32, #tpu.memory_space<vmem>>) target_semaphore(%dma_start3A_511 : memref<!tpu.dma_semaphore, #tpu.memory_space<semaphore_mem>>)
      } else {
      }
      %mul3A_441 = arith.constant 40 : i32
      %mul3A_442 = arith.muli %scan3A_392, %mul3A_441 : i32
      %add3A_443 = arith.addi %mul3A_2, %mul3A_442 : i32
      %mul3A_444 = arith.constant 40 : i32
      %mul3A_445 = arith.muli %scan3A_392, %mul3A_444 : i32
      %add3A_446 = arith.addi %mul3A_2, %mul3A_445 : i32
      %dma_start3A_447 = arith.constant 0 : i32
      %dma_start3A_448 = arith.constant 0 : i32
      %dma_start3A_449 = tpu.memref_slice %arg10[%rem3A_393, %dma_start3A_447, %dma_start3A_448] : memref<4x40x128xf32, #tpu.memory_space<vmem>> -> memref<1x40x128xf32, #tpu.memory_space<vmem>>
      %dma_start3A_450 = tpu.memref_squeeze %dma_start3A_449 : memref<1x40x128xf32, #tpu.memory_space<vmem>> -> memref<40x128xf32, #tpu.memory_space<vmem>>
      %dma_start3A_451 = arith.constant 0 : i32
      %dma_start3A_452 = tpu.memref_slice %arg6[%add3A_443, %dma_start3A_451] : memref<320000x256xf32, #tpu.memory_space<hbm>> -> memref<40x128xf32, #tpu.memory_space<hbm>>
      %dma_start3A_453 = tpu.memref_slice %arg14[%rem3A_393] : memref<4x!tpu.dma_semaphore, #tpu.memory_space<semaphore_mem>> -> memref<1x!tpu.dma_semaphore, #tpu.memory_space<semaphore_mem>>
      %dma_start3A_454 = tpu.memref_squeeze %dma_start3A_453 : memref<1x!tpu.dma_semaphore, #tpu.memory_space<semaphore_mem>> -> memref<!tpu.dma_semaphore, #tpu.memory_space<semaphore_mem>>
      %dma_start3A_455 = arith.constant 0 : i32
      %dma_start3A_456 = tpu.memref_slice %arg6[%add3A_443, %dma_start3A_455] : memref<320000x256xf32, #tpu.memory_space<hbm>> -> memref<40x128xf32, #tpu.memory_space<hbm>>
      %dma_start3A_457 = arith.constant 0 : i32
      %dma_start3A_458 = arith.constant 0 : i32
      %dma_start3A_459 = tpu.memref_slice %arg10[%rem3A_393, %dma_start3A_457, %dma_start3A_458] : memref<4x40x128xf32, #tpu.memory_space<vmem>> -> memref<1x40x128xf32, #tpu.memory_space<vmem>>
      %dma_start3A_460 = tpu.memref_squeeze %dma_start3A_459 : memref<1x40x128xf32, #tpu.memory_space<vmem>> -> memref<40x128xf32, #tpu.memory_space<vmem>>
      tpu.enqueue_dma source(%dma_start3A_460 : memref<40x128xf32, #tpu.memory_space<vmem>>) target(%dma_start3A_456 : memref<40x128xf32, #tpu.memory_space<hbm>>) target_semaphore(%dma_start3A_454 : memref<!tpu.dma_semaphore, #tpu.memory_space<semaphore_mem>>)
      %dma_start3A_461 = arith.constant 0 : i32
      %dma_start3A_462 = arith.constant 0 : i32
      %dma_start3A_463 = tpu.memref_slice %arg11[%rem3A_393, %dma_start3A_461, %dma_start3A_462] : memref<4x40x128xf32, #tpu.memory_space<vmem>> -> memref<1x40x128xf32, #tpu.memory_space<vmem>>
      %dma_start3A_464 = tpu.memref_squeeze %dma_start3A_463 : memref<1x40x128xf32, #tpu.memory_space<vmem>> -> memref<40x128xf32, #tpu.memory_space<vmem>>
      %dma_start3A_465 = arith.constant 128 : i32
      %dma_start3A_466 = tpu.memref_slice %arg6[%add3A_446, %dma_start3A_465] : memref<320000x256xf32, #tpu.memory_space<hbm>> -> memref<40x128xf32, #tpu.memory_space<hbm>>
      %dma_start3A_467 = tpu.memref_slice %arg14[%rem3A_393] : memref<4x!tpu.dma_semaphore, #tpu.memory_space<semaphore_mem>> -> memref<1x!tpu.dma_semaphore, #tpu.memory_space<semaphore_mem>>
      %dma_start3A_468 = tpu.memref_squeeze %dma_start3A_467 : memref<1x!tpu.dma_semaphore, #tpu.memory_space<semaphore_mem>> -> memref<!tpu.dma_semaphore, #tpu.memory_space<semaphore_mem>>
      %dma_start3A_469 = arith.constant 128 : i32
      %dma_start3A_470 = tpu.memref_slice %arg6[%add3A_446, %dma_start3A_469] : memref<320000x256xf32, #tpu.memory_space<hbm>> -> memref<40x128xf32, #tpu.memory_space<hbm>>
      %dma_start3A_471 = arith.constant 0 : i32
      %dma_start3A_472 = arith.constant 0 : i32
      %dma_start3A_473 = tpu.memref_slice %arg11[%rem3A_393, %dma_start3A_471, %dma_start3A_472] : memref<4x40x128xf32, #tpu.memory_space<vmem>> -> memref<1x40x128xf32, #tpu.memory_space<vmem>>
      %dma_start3A_474 = tpu.memref_squeeze %dma_start3A_473 : memref<1x40x128xf32, #tpu.memory_space<vmem>> -> memref<40x128xf32, #tpu.memory_space<vmem>>
      tpu.enqueue_dma source(%dma_start3A_474 : memref<40x128xf32, #tpu.memory_space<vmem>>) target(%dma_start3A_470 : memref<40x128xf32, #tpu.memory_space<hbm>>) target_semaphore(%dma_start3A_468 : memref<!tpu.dma_semaphore, #tpu.memory_space<semaphore_mem>>)
    }
    %scan3A_319 = arith.constant 250 : i32
    %add3A_320 = arith.constant 9920 : i32
    %add3A_321 = arith.addi %mul3A_2, %add3A_320 : i32
    %add3A_322 = arith.constant 9920 : i32
    %add3A_323 = arith.addi %mul3A_2, %add3A_322 : i32
    %dma_wait3A_324 = arith.constant 0 : i32
    %dma_wait3A_325 = arith.constant 0 : i32
    %dma_wait3A_326 = arith.constant 0 : i32
    %dma_wait3A_327 = arith.constant 0 : i32
    %dma_wait3A_328 = tpu.memref_slice %arg10[%dma_wait3A_324, %dma_wait3A_326, %dma_wait3A_327] : memref<4x40x128xf32, #tpu.memory_space<vmem>> -> memref<1x40x128xf32, #tpu.memory_space<vmem>>
    %dma_wait3A_329 = tpu.memref_squeeze %dma_wait3A_328 : memref<1x40x128xf32, #tpu.memory_space<vmem>> -> memref<40x128xf32, #tpu.memory_space<vmem>>
    %dma_wait3A_330 = arith.constant 0 : i32
    %dma_wait3A_331 = tpu.memref_slice %arg6[%add3A_321, %dma_wait3A_330] : memref<320000x256xf32, #tpu.memory_space<hbm>> -> memref<40x128xf32, #tpu.memory_space<hbm>>
    %dma_wait3A_332 = tpu.memref_slice %arg14[%dma_wait3A_325] : memref<4x!tpu.dma_semaphore, #tpu.memory_space<semaphore_mem>> -> memref<1x!tpu.dma_semaphore, #tpu.memory_space<semaphore_mem>>
    %dma_wait3A_333 = tpu.memref_squeeze %dma_wait3A_332 : memref<1x!tpu.dma_semaphore, #tpu.memory_space<semaphore_mem>> -> memref<!tpu.dma_semaphore, #tpu.memory_space<semaphore_mem>>
    %dma_wait3A_334 = arith.constant 0 : i32
    %dma_wait3A_335 = tpu.memref_slice %arg6[%add3A_321, %dma_wait3A_334] : memref<320000x256xf32, #tpu.memory_space<hbm>> -> memref<40x128xf32, #tpu.memory_space<hbm>>
    %dma_wait3A_336 = arith.constant 0 : i32
    %dma_wait3A_337 = arith.constant 0 : i32
    %dma_wait3A_338 = tpu.memref_slice %arg10[%dma_wait3A_324, %dma_wait3A_336, %dma_wait3A_337] : memref<4x40x128xf32, #tpu.memory_space<vmem>> -> memref<1x40x128xf32, #tpu.memory_space<vmem>>
    %dma_wait3A_339 = tpu.memref_squeeze %dma_wait3A_338 : memref<1x40x128xf32, #tpu.memory_space<vmem>> -> memref<40x128xf32, #tpu.memory_space<vmem>>
    tpu.wait_dma2 semaphore(%dma_wait3A_333 : memref<!tpu.dma_semaphore, #tpu.memory_space<semaphore_mem>>) src(%dma_wait3A_339 : memref<40x128xf32, #tpu.memory_space<vmem>>) dst(%dma_wait3A_335 : memref<40x128xf32, #tpu.memory_space<hbm>>)
    %dma_wait3A_340 = arith.constant 0 : i32
    %dma_wait3A_341 = arith.constant 0 : i32
    %dma_wait3A_342 = arith.constant 0 : i32
    %dma_wait3A_343 = arith.constant 0 : i32
    %dma_wait3A_344 = tpu.memref_slice %arg11[%dma_wait3A_340, %dma_wait3A_342, %dma_wait3A_343] : memref<4x40x128xf32, #tpu.memory_space<vmem>> -> memref<1x40x128xf32, #tpu.memory_space<vmem>>
    %dma_wait3A_345 = tpu.memref_squeeze %dma_wait3A_344 : memref<1x40x128xf32, #tpu.memory_space<vmem>> -> memref<40x128xf32, #tpu.memory_space<vmem>>
    %dma_wait3A_346 = arith.constant 128 : i32
    %dma_wait3A_347 = tpu.memref_slice %arg6[%add3A_323, %dma_wait3A_346] : memref<320000x256xf32, #tpu.memory_space<hbm>> -> memref<40x128xf32, #tpu.memory_space<hbm>>
    %dma_wait3A_348 = tpu.memref_slice %arg14[%dma_wait3A_341] : memref<4x!tpu.dma_semaphore, #tpu.memory_space<semaphore_mem>> -> memref<1x!tpu.dma_semaphore, #tpu.memory_space<semaphore_mem>>
    %dma_wait3A_349 = tpu.memref_squeeze %dma_wait3A_348 : memref<1x!tpu.dma_semaphore, #tpu.memory_space<semaphore_mem>> -> memref<!tpu.dma_semaphore, #tpu.memory_space<semaphore_mem>>
    %dma_wait3A_350 = arith.constant 128 : i32
    %dma_wait3A_351 = tpu.memref_slice %arg6[%add3A_323, %dma_wait3A_350] : memref<320000x256xf32, #tpu.memory_space<hbm>> -> memref<40x128xf32, #tpu.memory_space<hbm>>
    %dma_wait3A_352 = arith.constant 0 : i32
    %dma_wait3A_353 = arith.constant 0 : i32
    %dma_wait3A_354 = tpu.memref_slice %arg11[%dma_wait3A_340, %dma_wait3A_352, %dma_wait3A_353] : memref<4x40x128xf32, #tpu.memory_space<vmem>> -> memref<1x40x128xf32, #tpu.memory_space<vmem>>
    %dma_wait3A_355 = tpu.memref_squeeze %dma_wait3A_354 : memref<1x40x128xf32, #tpu.memory_space<vmem>> -> memref<40x128xf32, #tpu.memory_space<vmem>>
    tpu.wait_dma2 semaphore(%dma_wait3A_349 : memref<!tpu.dma_semaphore, #tpu.memory_space<semaphore_mem>>) src(%dma_wait3A_355 : memref<40x128xf32, #tpu.memory_space<vmem>>) dst(%dma_wait3A_351 : memref<40x128xf32, #tpu.memory_space<hbm>>)
    %add3A_356 = arith.constant 9960 : i32
    %add3A_357 = arith.addi %mul3A_2, %add3A_356 : i32
    %add3A_358 = arith.constant 9960 : i32
    %add3A_359 = arith.addi %mul3A_2, %add3A_358 : i32
    %dma_wait3A_360 = arith.constant 1 : i32
    %dma_wait3A_361 = arith.constant 1 : i32
    %dma_wait3A_362 = arith.constant 0 : i32
    %dma_wait3A_363 = arith.constant 0 : i32
    %dma_wait3A_364 = tpu.memref_slice %arg10[%dma_wait3A_360, %dma_wait3A_362, %dma_wait3A_363] : memref<4x40x128xf32, #tpu.memory_space<vmem>> -> memref<1x40x128xf32, #tpu.memory_space<vmem>>
    %dma_wait3A_365 = tpu.memref_squeeze %dma_wait3A_364 : memref<1x40x128xf32, #tpu.memory_space<vmem>> -> memref<40x128xf32, #tpu.memory_space<vmem>>
    %dma_wait3A_366 = arith.constant 0 : i32
    %dma_wait3A_367 = tpu.memref_slice %arg6[%add3A_357, %dma_wait3A_366] : memref<320000x256xf32, #tpu.memory_space<hbm>> -> memref<40x128xf32, #tpu.memory_space<hbm>>
    %dma_wait3A_368 = tpu.memref_slice %arg14[%dma_wait3A_361] : memref<4x!tpu.dma_semaphore, #tpu.memory_space<semaphore_mem>> -> memref<1x!tpu.dma_semaphore, #tpu.memory_space<semaphore_mem>>
    %dma_wait3A_369 = tpu.memref_squeeze %dma_wait3A_368 : memref<1x!tpu.dma_semaphore, #tpu.memory_space<semaphore_mem>> -> memref<!tpu.dma_semaphore, #tpu.memory_space<semaphore_mem>>
    %dma_wait3A_370 = arith.constant 0 : i32
    %dma_wait3A_371 = tpu.memref_slice %arg6[%add3A_357, %dma_wait3A_370] : memref<320000x256xf32, #tpu.memory_space<hbm>> -> memref<40x128xf32, #tpu.memory_space<hbm>>
    %dma_wait3A_372 = arith.constant 0 : i32
    %dma_wait3A_373 = arith.constant 0 : i32
    %dma_wait3A_374 = tpu.memref_slice %arg10[%dma_wait3A_360, %dma_wait3A_372, %dma_wait3A_373] : memref<4x40x128xf32, #tpu.memory_space<vmem>> -> memref<1x40x128xf32, #tpu.memory_space<vmem>>
    %dma_wait3A_375 = tpu.memref_squeeze %dma_wait3A_374 : memref<1x40x128xf32, #tpu.memory_space<vmem>> -> memref<40x128xf32, #tpu.memory_space<vmem>>
    tpu.wait_dma2 semaphore(%dma_wait3A_369 : memref<!tpu.dma_semaphore, #tpu.memory_space<semaphore_mem>>) src(%dma_wait3A_375 : memref<40x128xf32, #tpu.memory_space<vmem>>) dst(%dma_wait3A_371 : memref<40x128xf32, #tpu.memory_space<hbm>>)
    %dma_wait3A_376 = arith.constant 1 : i32
    %dma_wait3A_377 = arith.constant 1 : i32
    %dma_wait3A_378 = arith.constant 0 : i32
    %dma_wait3A_379 = arith.constant 0 : i32
    %dma_wait3A_380 = tpu.memref_slice %arg11[%dma_wait3A_376, %dma_wait3A_378, %dma_wait3A_379] : memref<4x40x128xf32, #tpu.memory_space<vmem>> -> memref<1x40x128xf32, #tpu.memory_space<vmem>>
    %dma_wait3A_381 = tpu.memref_squeeze %dma_wait3A_380 : memref<1x40x128xf32, #tpu.memory_space<vmem>> -> memref<40x128xf32, #tpu.memory_space<vmem>>
    %dma_wait3A_382 = arith.constant 128 : i32
    %dma_wait3A_383 = tpu.memref_slice %arg6[%add3A_359, %dma_wait3A_382] : memref<320000x256xf32, #tpu.memory_space<hbm>> -> memref<40x128xf32, #tpu.memory_space<hbm>>
    %dma_wait3A_384 = tpu.memref_slice %arg14[%dma_wait3A_377] : memref<4x!tpu.dma_semaphore, #tpu.memory_space<semaphore_mem>> -> memref<1x!tpu.dma_semaphore, #tpu.memory_space<semaphore_mem>>
    %dma_wait3A_385 = tpu.memref_squeeze %dma_wait3A_384 : memref<1x!tpu.dma_semaphore, #tpu.memory_space<semaphore_mem>> -> memref<!tpu.dma_semaphore, #tpu.memory_space<semaphore_mem>>
    %dma_wait3A_386 = arith.constant 128 : i32
    %dma_wait3A_387 = tpu.memref_slice %arg6[%add3A_359, %dma_wait3A_386] : memref<320000x256xf32, #tpu.memory_space<hbm>> -> memref<40x128xf32, #tpu.memory_space<hbm>>
    %dma_wait3A_388 = arith.constant 0 : i32
    %dma_wait3A_389 = arith.constant 0 : i32
    %dma_wait3A_390 = tpu.memref_slice %arg11[%dma_wait3A_376, %dma_wait3A_388, %dma_wait3A_389] : memref<4x40x128xf32, #tpu.memory_space<vmem>> -> memref<1x40x128xf32, #tpu.memory_space<vmem>>
    %dma_wait3A_391 = tpu.memref_squeeze %dma_wait3A_390 : memref<1x40x128xf32, #tpu.memory_space<vmem>> -> memref<40x128xf32, #tpu.memory_space<vmem>>
    tpu.wait_dma2 semaphore(%dma_wait3A_385 : memref<!tpu.dma_semaphore, #tpu.memory_space<semaphore_mem>>) src(%dma_wait3A_391 : memref<40x128xf32, #tpu.memory_space<vmem>>) dst(%dma_wait3A_387 : memref<40x128xf32, #tpu.memory_space<hbm>>)
    return
  }
}

#map = affine_map<(d0, d1) -> (0)>
module attributes {stable_mosaic.version = 14 : i64} {
  func.func @_logits_body(%arg0: i32, %arg1: i32, %arg2: memref<10000xf32, #tpu.memory_space<hbm>>, %arg3: memref<10000xf32, #tpu.memory_space<hbm>>, %arg4: memref<320000xi32, #tpu.memory_space<hbm>>, %arg5: memref<320000xi32, #tpu.memory_space<hbm>>, %arg6: memref<320000xf32, #tpu.memory_space<hbm>>, %arg7: memref<10000xf32, #tpu.memory_space<vmem>>, %arg8: memref<10000xf32, #tpu.memory_space<vmem>>, %arg9: memref<10000xi32, #tpu.memory_space<vmem>>, %arg10: memref<10000xi32, #tpu.memory_space<vmem>>, %arg11: memref<10000xf32, #tpu.memory_space<vmem>>) attributes {dimension_semantics = [#tpu.dimension_semantics<core_parallel>, #tpu.dimension_semantics<subcore_parallel>], iteration_bounds = array<i64: 2, 16>, scalar_prefetch = 0 : i64, scratch_operands = 5 : i64, tpu.core_type = #tpu.core_type<sc_vector_subcore>, window_params = [{transform_indices = #map}, {transform_indices = #map}, {transform_indices = #map}, {transform_indices = #map}, {transform_indices = #map}]} {
    %mul3A = arith.constant 2 : i32
    %mul3A_0 = arith.muli %arg1, %mul3A : i32
    %add3A = arith.addi %mul3A_0, %arg0 : i32
    %mul3A_1 = arith.constant 10000 : i32
    %mul3A_2 = arith.muli %add3A, %mul3A_1 : i32
    "tpu.region"() ({
      %run_scoped3A = tpu.sem_alloc : memref<!tpu.dma_semaphore, #tpu.memory_space<semaphore_mem>>
      tpu.enqueue_dma source(%arg2 : memref<10000xf32, #tpu.memory_space<hbm>>) target(%arg7 : memref<10000xf32, #tpu.memory_space<vmem>>) target_semaphore(%run_scoped3A : memref<!tpu.dma_semaphore, #tpu.memory_space<semaphore_mem>>)
      tpu.wait_dma2 semaphore(%run_scoped3A : memref<!tpu.dma_semaphore, #tpu.memory_space<semaphore_mem>>) src(%arg2 : memref<10000xf32, #tpu.memory_space<hbm>>) dst(%arg7 : memref<10000xf32, #tpu.memory_space<vmem>>)
      tpu.yield
    }) : () -> ()
    "tpu.region"() ({
      %run_scoped3A = tpu.sem_alloc : memref<!tpu.dma_semaphore, #tpu.memory_space<semaphore_mem>>
      tpu.enqueue_dma source(%arg3 : memref<10000xf32, #tpu.memory_space<hbm>>) target(%arg8 : memref<10000xf32, #tpu.memory_space<vmem>>) target_semaphore(%run_scoped3A : memref<!tpu.dma_semaphore, #tpu.memory_space<semaphore_mem>>)
      tpu.wait_dma2 semaphore(%run_scoped3A : memref<!tpu.dma_semaphore, #tpu.memory_space<semaphore_mem>>) src(%arg3 : memref<10000xf32, #tpu.memory_space<hbm>>) dst(%arg8 : memref<10000xf32, #tpu.memory_space<vmem>>)
      tpu.yield
    }) : () -> ()
    "tpu.region"() ({
      %run_scoped3A = tpu.sem_alloc : memref<!tpu.dma_semaphore, #tpu.memory_space<semaphore_mem>>
      %dma_start3A = tpu.memref_slice %arg4[%mul3A_2] : memref<320000xi32, #tpu.memory_space<hbm>> -> memref<10000xi32, #tpu.memory_space<hbm>>
      %dma_start3A_5 = tpu.memref_slice %arg4[%mul3A_2] : memref<320000xi32, #tpu.memory_space<hbm>> -> memref<10000xi32, #tpu.memory_space<hbm>>
      tpu.enqueue_dma source(%dma_start3A_5 : memref<10000xi32, #tpu.memory_space<hbm>>) target(%arg9 : memref<10000xi32, #tpu.memory_space<vmem>>) target_semaphore(%run_scoped3A : memref<!tpu.dma_semaphore, #tpu.memory_space<semaphore_mem>>)
      %dma_wait3A = tpu.memref_slice %arg4[%mul3A_2] : memref<320000xi32, #tpu.memory_space<hbm>> -> memref<10000xi32, #tpu.memory_space<hbm>>
      %dma_wait3A_6 = tpu.memref_slice %arg4[%mul3A_2] : memref<320000xi32, #tpu.memory_space<hbm>> -> memref<10000xi32, #tpu.memory_space<hbm>>
      tpu.wait_dma2 semaphore(%run_scoped3A : memref<!tpu.dma_semaphore, #tpu.memory_space<semaphore_mem>>) src(%dma_wait3A_6 : memref<10000xi32, #tpu.memory_space<hbm>>) dst(%arg9 : memref<10000xi32, #tpu.memory_space<vmem>>)
      tpu.yield
    }) : () -> ()
    "tpu.region"() ({
      %run_scoped3A = tpu.sem_alloc : memref<!tpu.dma_semaphore, #tpu.memory_space<semaphore_mem>>
      %dma_start3A = tpu.memref_slice %arg5[%mul3A_2] : memref<320000xi32, #tpu.memory_space<hbm>> -> memref<10000xi32, #tpu.memory_space<hbm>>
      %dma_start3A_5 = tpu.memref_slice %arg5[%mul3A_2] : memref<320000xi32, #tpu.memory_space<hbm>> -> memref<10000xi32, #tpu.memory_space<hbm>>
      tpu.enqueue_dma source(%dma_start3A_5 : memref<10000xi32, #tpu.memory_space<hbm>>) target(%arg10 : memref<10000xi32, #tpu.memory_space<vmem>>) target_semaphore(%run_scoped3A : memref<!tpu.dma_semaphore, #tpu.memory_space<semaphore_mem>>)
      %dma_wait3A = tpu.memref_slice %arg5[%mul3A_2] : memref<320000xi32, #tpu.memory_space<hbm>> -> memref<10000xi32, #tpu.memory_space<hbm>>
      %dma_wait3A_6 = tpu.memref_slice %arg5[%mul3A_2] : memref<320000xi32, #tpu.memory_space<hbm>> -> memref<10000xi32, #tpu.memory_space<hbm>>
      tpu.wait_dma2 semaphore(%run_scoped3A : memref<!tpu.dma_semaphore, #tpu.memory_space<semaphore_mem>>) src(%dma_wait3A_6 : memref<10000xi32, #tpu.memory_space<hbm>>) dst(%arg10 : memref<10000xi32, #tpu.memory_space<vmem>>)
      tpu.yield
    }) : () -> ()
    %parallel_loop3A = arith.constant 0 : i32
    %parallel_loop3A_3 = arith.constant 625 : i32
    %parallel_loop3A_4 = arith.constant 1 : i32
    scf.for %parallel_loop3A_5 = %parallel_loop3A to %parallel_loop3A_3 step %parallel_loop3A_4  : i32 {
      %parallel_loop3A_6 = arith.constant 16 : i32
      %parallel_loop3A_7 = arith.muli %parallel_loop3A_5, %parallel_loop3A_6 : i32
      %parallel_loop3A_8 = arith.index_cast %parallel_loop3A_7 : i32 to index
      %parallel_loop3A_9 = tpu.vector_load %arg9[%parallel_loop3A_8] {strides = array<i32>} : memref<10000xi32, #tpu.memory_space<vmem>>, vector<16xi32>,
      %parallel_loop3A_10 = arith.index_cast %parallel_loop3A_7 : i32 to index
      %parallel_loop3A_11 = tpu.vector_load %arg10[%parallel_loop3A_10] {strides = array<i32>} : memref<10000xi32, #tpu.memory_space<vmem>>, vector<16xi32>,
      %parallel_loop3A_12 = tpu.vector_load_idx %arg7[%parallel_loop3A_9] : memref<10000xf32, #tpu.memory_space<vmem>>[vector<16xi32>], vector<16xf32>,
      %parallel_loop3A_13 = tpu.vector_load_idx %arg8[%parallel_loop3A_11] : memref<10000xf32, #tpu.memory_space<vmem>>[vector<16xi32>], vector<16xf32>,
      %parallel_loop3A_14 = arith.addf %parallel_loop3A_12, %parallel_loop3A_13 : vector<16xf32>
      %parallel_loop3A_15 = arith.index_cast %parallel_loop3A_7 : i32 to index
      %parallel_loop3A_16 = tpu.vector_load %arg11[%parallel_loop3A_15] {strides = array<i32>} : memref<10000xf32, #tpu.memory_space<vmem>>, vector<16xf32>,
      tpu.vector_store %arg11[%parallel_loop3A_15], %parallel_loop3A_14 {strides = array<i32>} : memref<10000xf32, #tpu.memory_space<vmem>>, vector<16xf32>,
    } {sc.loop_unroll_factor = 4 : i64, sc.parallel_access}
    "tpu.region"() ({
      %run_scoped3A = tpu.sem_alloc : memref<!tpu.dma_semaphore, #tpu.memory_space<semaphore_mem>>
      %dma_start3A = tpu.memref_slice %arg6[%mul3A_2] : memref<320000xf32, #tpu.memory_space<hbm>> -> memref<10000xf32, #tpu.memory_space<hbm>>
      %dma_start3A_5 = tpu.memref_slice %arg6[%mul3A_2] : memref<320000xf32, #tpu.memory_space<hbm>> -> memref<10000xf32, #tpu.memory_space<hbm>>
      tpu.enqueue_dma source(%arg11 : memref<10000xf32, #tpu.memory_space<vmem>>) target(%dma_start3A_5 : memref<10000xf32, #tpu.memory_space<hbm>>) target_semaphore(%run_scoped3A : memref<!tpu.dma_semaphore, #tpu.memory_space<semaphore_mem>>)
      %dma_wait3A = tpu.memref_slice %arg6[%mul3A_2] : memref<320000xf32, #tpu.memory_space<hbm>> -> memref<10000xf32, #tpu.memory_space<hbm>>
      %dma_wait3A_6 = tpu.memref_slice %arg6[%mul3A_2] : memref<320000xf32, #tpu.memory_space<hbm>> -> memref<10000xf32, #tpu.memory_space<hbm>>
      tpu.wait_dma2 semaphore(%run_scoped3A : memref<!tpu.dma_semaphore, #tpu.memory_space<semaphore_mem>>) src(%arg11 : memref<10000xf32, #tpu.memory_space<vmem>>) dst(%dma_wait3A_6 : memref<10000xf32, #tpu.memory_space<hbm>>)
      tpu.yield
    }) : () -> ()
    return
  }
}

module attributes {stable_mosaic.version = 14 : i64} {
  func.func @_scores_body(%arg0: memref<10000x128xf32, #tpu.memory_space<vmem>>, %arg1: memref<2x128xf32, #tpu.memory_space<vmem>>, %arg2: memref<2x10000xf32, #tpu.memory_space<vmem>>) attributes {dimension_semantics = [], scalar_prefetch = 0 : i64, scratch_operands = 0 : i64, tpu.core_type = #tpu.core_type<tc>} {
    %get3A = arith.constant 0 : index
    %get3A_0 = arith.constant 0 : index
    %get3A_1 = vector.load %arg1[%get3A, %get3A_0] : memref<2x128xf32, #tpu.memory_space<vmem>>, vector<2x128xf32>
    %get3A_2 = arith.constant 0 : index
    %get3A_3 = arith.constant 0 : index
    %get3A_4 = vector.load %arg0[%get3A_2, %get3A_3] : memref<10000x128xf32, #tpu.memory_space<vmem>>, vector<10000x128xf32>
    %dot_general3A = arith.constant dense<0.000000e+00> : vector<2x10000xf32>
    %dot_general3A_5 = tpu.matmul %get3A_1, %get3A_4, %dot_general3A {dimension_numbers = #tpu.dot_dimension_numbers<[1], [1], [0], [0], [0, 0, 1, 0], [], []>, transpose_lhs_hint = false} : vector<2x128xf32>, vector<10000x128xf32>, vector<2x10000xf32> -> vector<2x10000xf32>
    %swap3A = arith.constant 0 : index
    %swap3A_6 = arith.constant 0 : index
    %swap3A_7 = vector.load %arg2[%swap3A, %swap3A_6] : memref<2x10000xf32, #tpu.memory_space<vmem>>, vector<2x10000xf32>
    tpu.vector_store %arg2[%swap3A, %swap3A_6], %dot_general3A_5 {strides = array<i32>} : memref<2x10000xf32, #tpu.memory_space<vmem>>, vector<2x10000xf32>,
    return
  }
}

module attributes {stable_mosaic.version = 14 : i64} {
  func.func @_softmax_body(%arg0: memref<2500x128xf32, #tpu.memory_space<vmem>>, %arg1: memref<2500x128xf32, #tpu.memory_space<vmem>>) attributes {dimension_semantics = [], scalar_prefetch = 0 : i64, scratch_operands = 0 : i64, tpu.core_type = #tpu.core_type<tc>} {
    %get3A = arith.constant 0 : index
    %get3A_0 = arith.constant 0 : index
    %get3A_1 = vector.load %arg0[%get3A, %get3A_0] : memref<2500x128xf32, #tpu.memory_space<vmem>>, vector<2500x128xf32>
    %reduce_max3A = vector.shape_cast %get3A_1 : vector<2500x128xf32> to vector<1x2500x128xf32>
    %reduce_max3A_2 = arith.constant dense<0xFF800000> : vector<1xf32>
    %reduce_max3A_3 = vector.multi_reduction <maximumf>, %reduce_max3A, %reduce_max3A_2 [1, 2] : vector<1x2500x128xf32> to vector<1xf32>
    %reduce_max3A_4 = vector.shape_cast %reduce_max3A_3 : vector<1xf32> to vector<1x1x1xf32>
    %reduce_max3A_5 = vector.extract %reduce_max3A_4[0, 0, 0] : f32 from vector<1x1x1xf32>
    %sub3A = vector.broadcast %reduce_max3A_5 : f32 to vector<2500x128xf32>
    %sub3A_6 = arith.subf %get3A_1, %sub3A : vector<2500x128xf32>
    %exp3A = math.exp %sub3A_6 : vector<2500x128xf32>
    %reduce_sum3A = vector.shape_cast %exp3A : vector<2500x128xf32> to vector<1x2500x128xf32>
    %reduce_sum3A_7 = arith.constant dense<0.000000e+00> : vector<1xf32>
    %reduce_sum3A_8 = vector.multi_reduction <add>, %reduce_sum3A, %reduce_sum3A_7 [1, 2] : vector<1x2500x128xf32> to vector<1xf32>
    %reduce_sum3A_9 = vector.shape_cast %reduce_sum3A_8 : vector<1xf32> to vector<1x1x1xf32>
    %reduce_sum3A_10 = vector.extract %reduce_sum3A_9[0, 0, 0] : f32 from vector<1x1x1xf32>
    %div3A = vector.broadcast %reduce_sum3A_10 : f32 to vector<2500x128xf32>
    %div3A_11 = arith.divf %exp3A, %div3A : vector<2500x128xf32>
    %swap3A = arith.constant 0 : index
    %swap3A_12 = arith.constant 0 : index
    %swap3A_13 = vector.load %arg1[%swap3A, %swap3A_12] : memref<2500x128xf32, #tpu.memory_space<vmem>>, vector<2500x128xf32>
    tpu.vector_store %arg1[%swap3A, %swap3A_12], %div3A_11 {strides = array<i32>} : memref<2500x128xf32, #tpu.memory_space<vmem>>, vector<2500x128xf32>,
    return
  }
}

</mosaic_0001>

<sc_bundles>
// kernel: kernel.6.cloned.1.call-start
scs
__scs_entry_jumppad:
0x0: {  	(pc) =	sbr.rel $0x88, $3  }
0x1: {  	(tag) =	ssettag $0x0;
	lr =	simm.s32 $0x1  }
0x2: {  	[smem:$0x3F9E] =	sst lr;
	_ =	strace $0xD0000000  }
0x3: {  	_ = 	snop  }
0x4: {  	_ = 	snop  }
0x5: {  	_ = 	snop  }
0x6: {  	_ = 	snop  }
0x7: {  	_ = 	snop  }
__scs_overlays_trampoline_lowered:
0x8: {  	[smem:$0x3FAD] =	sst s0  }
0x9: {  	[smem:$0x3FAE] =	sst s1  }
0xa: {  	[smem:$0x3FAF] =	sst s2  }
0xb: {  	[smem:$0x3FB0] =	sst s3  }
0xc: {  	[smem:$0x3FB1] =	sst s4  }
0xd: {  	[smem:$0x3FB2] =	sst s5  }
0xe: {  	[smem:$0x3FB3] =	sst s6  }
0xf: {  	[smem:$0x3FB4] =	sst s7  }
0x10: {  	[smem:$0x3FB5] =	sst s8  }
0x11: {  	[smem:$0x3FB6] =	sst s9;
	s0 =	simm.s32 @!p0 $0x0  }
0x12: {  	s1 =	sld [smem:$0x3F9C];
	s0 =	simm.s32 @p0 $0x1  }
0x13: {  	[smem:$0x3FB7] =	sst s0;
	s0 =	simm.s32 @!p1 $0x0  }
0x14: {  	s2 =	sld [smem:$0x3F9B];
	s0 =	simm.s32 @p1 $0x1  }
0x15: {  	[smem:$0x3FB8] =	sst s0;
	s0 =	simm.s32 @!p2 $0x0  }
0x16: {  	s3 =	sld [smem:$0x3FDB];
	s0 =	simm.s32 @p2 $0x1  }
0x17: {  	s4 =	simm.s32 $0x1BF5;
	[smem:$0x3FBA] =	sst s0  }
0x18: {  	s0 =	sld [smem:$0x3F9D];
	_ =	swait.ge [sflag:s4], $0x0  }
0x19: {  	s7 =	sld [smem:$0x3F9E]  }
0x1a: {  	s8 =	sadd.s32 $0xFFFFE003, lr  }
0x1b: {  	s9 =	sadd.s32 $0xFFFFFEF7, lr;
	s5 =	simm.s32 $0xFFFFFFFF;
	p2 =	slt.u32 s8, $0xFFFFF086  }
0x1c: {  	p1 =	slt.u32 s9, $0xF7A;
	s5 =	simm.s32 @!p2 $0x0  }
0x1d: {  	s5 =	simm.s32 @p1 $0x1;
	p0 =	seq.s32 s7, s2  }
0x1e: {  	s7 =	smul.u32 @!p0 $0xF7A, s2;
	p2 =	seq.s32 @!p0 s5, $0x0  }
0x1f: {  	s9 =	smul.u32 $0xF7A, s1;
	s8 =	simm.s32 @!p0 $0x1BF5;
	p2 =	por !p2, p0  }
0x20: {  	[sflag:s8] =	ssyncset.s32 @!p0 $0xFFFFF086;
	s6 =	sadd.s32 @!p0 s3, s7;
	s7 =	simm.s32 @!p0 $0x108  }
0x21: {  	s3 =	sadd.s32 s3, s9;
	s6 =	sadd.s32 @!p0 $0x88, s6;
	s7 =	simm.s32 @p2 $0x1082  }
0x22: {  	[simem:s7], [sflag:s8] =	dma.local @!p0 [hbm:s6], $0xF7A  }
0x23: {  	s9 =	sor.u32 $0xD0000000, s2;
	s6 =	simm.s32 $0x108;
	_ =	swait.ge @!p0 [sflag:s8], $0x0  }
0x24: {  	s3 =	sadd.s32 $0x88, s3;
	s6 =	simm.s32 @!p1 $0x1082;
	[sflag:s4] =	ssyncset.s32 $0xFFFFF086  }
0x25: {  	[simem:s6], [sflag:s4] =	dma.local [hbm:s3], $0xF7A  }
0x26: {  	[smem:$0x3F9E] =	sst s1;
	(tag) =	ssettag s2;
	_ =	strace s9  }
0x27: {  	s1 =	sld [smem:$0x3FAE]  }
0x28: {  	s2 =	sld [smem:$0x3FAF]  }
0x29: {  	s4 =	sld [smem:$0x3FB1]  }
0x2a: {  	p0 =	seq.s32 s5, $0x0;
	s5 =	sld [smem:$0x3FB2]  }
0x2b: {  	s6 =	sld [smem:$0x3FB3]  }
0x2c: {  	s7 =	sld [smem:$0x3FB4]  }
0x2d: {  	s3 =	simm.s32 $0x108;
	s8 =	sld [smem:$0x3FB5]  }
0x2e: {  	s3 =	simm.s32 @!p0 $0x1082;
	s9 =	sld [smem:$0x3FB6]  }
0x2f: {  	lr =	sadd.s32 s0, s3;
	s0 =	sld [smem:$0x3FAD]  }
0x30: {  	s3 =	sld [smem:$0x3FB0]  }
0x31: {  	[smem:$0x3FB9] =	sst s10  }
0x32: {  	s10 =	sld [smem:$0x3FB7];
	_ =	sdelay $0x3  }
0x33: {  	p0 =	seq.s32 s10, $0x1;
	s10 =	sld [smem:$0x3FB9];
	_ =	sdelay $0x3  }
0x34: {  	[smem:$0x3FB9] =	sst s10  }
0x35: {  	s10 =	sld [smem:$0x3FB8];
	_ =	sdelay $0x3  }
0x36: {  	p1 =	seq.s32 s10, $0x1;
	s10 =	sld [smem:$0x3FB9];
	_ =	sdelay $0x3  }
0x37: {  	[smem:$0x3FB9] =	sst s10  }
0x38: {  	s10 =	sld [smem:$0x3FBA]  }
0x39: {  	_ = 	snop;
	(pc) =	sbr.ind lr, $3  }
0x3a: {  	_ = 	snop  }
0x3b: {  	_ = 	snop  }
0x3c: {  	p2 =	seq.s32 s10, $0x1;
	s10 =	sld [smem:$0x3FB9]  }
0x3d: {  	_ =	shalt  }
0x3e: {  	_ =	shalt  }
0x3f: {  	_ =	shalt  }
0x40: {  	_ =	shalt  }
0x41: {  	_ =	shalt  }
0x42: {  	_ =	shalt  }
0x43: {  	_ =	shalt  }
0x44: {  	_ =	shalt  }
0x45: {  	_ =	shalt  }
0x46: {  	_ =	shalt  }
0x47: {  	_ =	shalt  }
0x48: {  	_ =	shalt  }
0x49: {  	_ =	shalt  }
0x4a: {  	_ =	shalt  }
0x4b: {  	_ =	shalt  }
0x4c: {  	_ =	shalt  }
0x4d: {  	_ =	shalt  }
0x4e: {  	_ =	shalt  }
0x4f: {  	_ =	shalt  }
0x50: {  	_ =	shalt  }
0x51: {  	_ =	shalt  }
0x52: {  	_ =	shalt  }
0x53: {  	_ =	shalt  }
0x54: {  	_ =	shalt  }
0x55: {  	_ =	shalt  }
0x56: {  	_ =	shalt  }
0x57: {  	_ =	shalt  }
0x58: {  	_ =	shalt  }
0x59: {  	_ =	shalt  }
0x5a: {  	_ =	shalt  }
0x5b: {  	_ =	shalt  }
0x5c: {  	_ =	shalt  }
0x5d: {  	_ =	shalt  }
0x5e: {  	_ =	shalt  }
0x5f: {  	_ =	shalt  }
0x60: {  	_ =	shalt  }
0x61: {  	_ =	shalt  }
0x62: {  	_ =	shalt  }
0x63: {  	_ =	shalt  }
0x64: {  	_ =	shalt  }
0x65: {  	_ =	shalt  }
0x66: {  	_ =	shalt  }
0x67: {  	_ =	shalt  }
0x68: {  	_ =	shalt  }
0x69: {  	_ =	shalt  }
0x6a: {  	_ =	shalt  }
0x6b: {  	_ =	shalt  }
0x6c: {  	_ =	shalt  }
0x6d: {  	_ =	shalt  }
0x6e: {  	_ =	shalt  }
0x6f: {  	_ =	shalt  }
0x70: {  	_ =	shalt  }
0x71: {  	_ =	shalt  }
0x72: {  	_ =	shalt  }
0x73: {  	_ =	shalt  }
0x74: {  	_ =	shalt  }
0x75: {  	_ =	shalt  }
0x76: {  	_ =	shalt  }
0x77: {  	_ =	shalt  }
0x78: {  	_ =	shalt  }
0x79: {  	_ =	shalt  }
0x7a: {  	_ =	shalt  }
0x7b: {  	_ =	shalt  }
0x7c: {  	_ =	shalt  }
0x7d: {  	_ =	shalt  }
0x7e: {  	_ =	shalt  }
0x7f: {  	_ =	shalt  }
0x80: {  	_ =	shalt  }
0x81: {  	_ =	shalt  }
0x82: {  	_ =	shalt  }
0x83: {  	_ =	shalt  }
0x84: {  	_ =	shalt  }
0x85: {  	_ =	shalt  }
0x86: {  	_ =	shalt  }
0x87: {  	_ =	shalt  }
.Lfunc_end0:
.L_simem_size_0:
called_computation_lowered:
.L_overlay_start_0:
0x88: {  	s2 =	sld [smem:$0x3FD9]  }
0x89: {  	s3 =	sld [smem:$0x3FFE];
	_ =	sdelay $0x1  }
0x8a: {  	s1 =	srdreg.scid  }
0x8b: {  	s0 =	sand.u32 $0x1, s1  }
0x8c: {  	s17 =	sshll.u32 s0, $0xA;
	s2 =	sadd.s32 s3, s2  }
0x8d: {  	s2 =	sadd.s32 s2, s17  }
0x8e: {  	[smem:$0x3FC5] =	sst s2  }
0x8f: {  	_ = 	snop  }
0x90: {  	s2 =	sld [smem:$0x3FD0];
	(tm) =	ssettm $0x1  }
0x91: {  	s18 =	sld [smem:$0x3FFB];
	_ =	sdelay $0x3  }
0x92: {  	_ =	strace s18  }
0x93: {  	s3 =	sld [smem:$0x3FFC];
	_ =	sdelay $0x3  }
0x94: {  	_ =	strace s3  }
0x95: {  	s3 =	sld [smem:$0x3FFD];
	_ =	sdelay $0x3  }
0x96: {  	_ =	strace s3  }
0x97: {  	_ =	strace $0x8FFFFFFF  }
0x98: {  	s19 =	sld [smem:$0x3FDB];
	_ =	sdelay $0x1  }
0x99: {  	s4 =	simm.s32 $_scs_section_size  }
0x9a: {  	s5 =	simm.s32 $_size__tile_overlayer_lowered;
	s6 =	simm.s32 $_tile_overlayer_lowered  }
0x9b: {  	s22 =	simm.s32 $0x1BFF;
	s21 =	sshll.u32 s6, $0x1;
	s3 =	sadd.s32 s4, s19  }
0x9c: {  	s7 =	simm.s32 $0x0;
	s20 =	sshll.u32 s5, $0x1;
	s5 =	sadd.s32 s21, s3  }
0x9d: {  	[timem:s7], [sflag:s22] =	dma.local [hbm:s5], s20  }
0x9e: {  	_ =	swait.ge [sflag:s22], s20  }
0x9f: {  	s4 =	ssub.s32 $0x0, s20;
	[sflag:s22] =	ssyncset.done $0x0  }
0xa0: {  	[sflag:s22] =	ssyncadd.s32 s4;
	_ =	sdelay $0x1  }
0xa1: {  	s23 =	simm.s32 $0x1B8B  }
0xa2: {  	_ =	swait.ge [sflag:s23], $0x1  }
0xa3: {  	[sflag:s23] =	ssyncset.done $0x0  }
0xa4: {  	s25 =	simm.s32 $0x1B8E;
	s24 =	sld [smem:$0x3FFE];
	[sflag:s23] =	ssyncadd.s32 $0xFFFFFFFF  }
0xa5: {  	s26 =	simm.s32 $execute0_lowered;
	[smem:$0x3FD2] =	sst s25  }
0xa6: {  	s5 =	sshll.u32 s26, $0x1;
	_ =	strace $0x80000046;
	[dreg:$0x1] =	wrdreg $0xFFFFFFFF  }
0xa7: {  	s28 =	simm.s32 $_size_execute0_lowered;
	s3 =	sadd.s32 s3, s5;
	[dreg:$0x0] =	wrdreg $0x0  }
0xa8: {  	s5 =	sshll.u32 s28, $0x1;
	[dreg:$0x2] =	wrdreg s3  }
0xa9: {  	[dreg:$0x3] =	wrdreg s5  }
0xaa: {  	[dreg:$0x4] =	wrdreg $0xC0  }
0xab: {  	_ =	task [dreg:s7], $0x5FFFF  }
0xac: {  	[dreg:$0x1] =	wrdreg $0xFFFFFFFF  }
0xad: {  	[dreg:$0x0] =	wrdreg $0x60  }
0xae: {  	[dreg:$0x2] =	wrdreg s24  }
0xaf: {  	[dreg:$0x3] =	wrdreg s2  }
0xb0: {  	[dreg:$0x4] =	wrdreg $0x9  }
0xb1: {  	_ =	task.clear_ibuf [dreg:s7], $0x5FFFF;
	_ =	strace $0x90000046  }
0xb2: {  	s29 =	simm.s32 $0x9;
	_ =	strace $0x80000048  }
0xb3: {  	_ =	swait.ge [sflag:s29], $0x1  }
0xb4: {  	[sflag:s29] =	ssyncadd.s32 $0xFFFFFFFF  }
0xb5: {  	_ =	strace $0x90000048  }
0xb6: {  	_ =	sfence  }
0xb7: {  	s30 =	sld [smem:$0x0];
	_ =	sdelay $0x2  }
0xb8: {  	s31 =	sshll.u32 s1, $0xD;
	s1 =	sshrl.u32 s1, $0x2  }
0xb9: {  	s3 =	sand.u32 $0x4000, s31;
	s1 =	sadd.s32 s1, s30  }
0xba: {  	s0 =	sor.u32 s3, s0;
	s1 =	sshll.u32 s1, $0x11  }
0xbb: {  	s0 =	sor.u32 s1, s0  }
0xbc: {  	s0 =	sadd.s32 $0x8F2B, s0  }
0xbd: {  	[sflag:s0] =	ssyncadd.remote.s32 $0x1  }
0xbe: {  	_ =	sfence.sel $0xFFFF  }
0xbf: {  	[dreg:$0x0] =	wrdreg $0xFFFFFFFF;
	(pc) =	sbr.abs _section_cstart, $3  }
0xc0: {  	[dreg:$0x1] =	wrdreg $0xFFFFFFFF  }
0xc1: {  	_ =	task.clear_ibuf [dreg:s7], $0x2FFFF;
	_ =	strace $0x9FFFFFFF  }
0xc2: {  	(tm) =	ssettm $0x7FFFFFFF  }
0xc3: {  	_ =	shalt  }
tec
execute0_lowered:
.L_overlay_start_1:
0x0: {  	(tag) =	ssettag $0x1  }
0x1: {  	s1 =	srdreg.scid  }
0x2: {  	s0 =	stileid.u32;
	s2 =	rddreg [dreg:$0x0]  }
0x3: {  	s7 =	rddreg [dreg:$0x1];
	s3 =	simm.s32 $0x0;
	s10 =	simm.s32 $0x2780  }
0x4: {  	s11 =	simm.s32 $0x4F00;
	s12 =	simm.s32 $0x7680;
	s13 =	simm.s32 $0x9E00  }
0x5: {  	s14 =	simm.s32 $0x0;
	s4 =	sand.u32 $0x1, s1;
	s30 =	sshll.u32 s0, $0x1  }
0x6: {  	s1 =	rddreg [dreg:$0x2];
	s5 =	sor.u32 s4, s30;
	s31 =	ssub.s32 $0x2, s4  }
0x7: {  	[smem:$0x7FF] =	sst s3;
	s8 =	smul.u32 $0x4E2, s5;
	s9 =	sshrl.u32 s31, $0x1  }
0x8: {  	_ =	strace $0x80000047;
	s4 =	sadd.s32 $0x600, s2;
	s9 =	ssub.s32 s31, s9  }
0x9: {  	s6 =	sadd.s32 s8, s2;
	s7 =	sadd.s32 s7, s8;
	s8 =	smax.u32 s9, $0x1  }
0xa: {  	s9 =	simm.s32 $0x1;
	s5 =	sadd.s32 $0xAA00, s6;
	s6 =	sadd.s32 $0xC00, s6  }
.LBB2_1:
0xb: {  	[tilespmem:s3], [sflag:$0x1] =	stream.linear.gather [hbm4b:s4+s3], $0x2780, $0x38;
	[tilespmem:$0xC580] =	vst v63  }
0xc: {  	_ =	swait.ge [sflag:s9], $0x2780  }
0xd: {  	[sflag:s9] =	ssyncset.done $0x0  }
0xe: {  	[sflag:s9] =	ssyncadd.s32 $0xFFFFD880  }
0xf: {  	[tilespmem:s10], [sflag:$0x1] =	stream.linear.gather [hbm4b:s2+s3], $0x2780, $0x38;
	[tilespmem:$0xC580] =	vst v63  }
0x10: {  	_ =	swait.ge [sflag:s9], $0x2780  }
0x11: {  	[sflag:s9] =	ssyncset.done $0x0  }
0x12: {  	[sflag:s9] =	ssyncadd.s32 $0xFFFFD880  }
0x13: {  	[tilespmem:s11], [sflag:$0x1] =	stream.linear.gather [hbm4b:s5+s3], $0x2710, $0x38;
	[tilespmem:$0xC580] =	vst v63  }
0x14: {  	_ =	swait.ge [sflag:s9], $0x2710  }
0x15: {  	[sflag:s9] =	ssyncset.done $0x0  }
0x16: {  	[sflag:s9] =	ssyncadd.s32 $0xFFFFD8F0  }
0x17: {  	[tilespmem:s12], [sflag:$0x1] =	stream.linear.gather [hbm4b:s6+s3], $0x2710, $0x38;
	[tilespmem:$0xC580] =	vst v63  }
0x18: {  	_ =	swait.ge [sflag:s9], $0x2710  }
0x19: {  	[sflag:s9] =	ssyncset.done $0x0  }
0x1a: {  	s15 =	simm.s32 $0x4F20;
	[sflag:s9] =	ssyncadd.s32 $0xFFFFD8F0  }
0x1b: {  	s16 =	simm.s32 $0x76A0;
	v0 =	vld [tilespmem:s15+$0x10]  }
0x1c: {  	v1 =	vld [tilespmem:s16+$0x10]  }
0x1d: {  	v2 =	vld [tilespmem:s16+$0xFFFFFFE0]  }
0x1e: {  	v3 =	vld [tilespmem:s15+$0xFFFFFFF0]  }
0x1f: {  	v4 =	vld [tilespmem:s16+$0xFFFFFFF0]  }
0x20: {  	v5 =	vld [tilespmem:s15+$0x0]  }
0x21: {  	v6 =	vld [tilespmem:s16+$0x0]  }
0x22: {  	s31 =	simm.s32 $0x4F60;
	v7 =	vld [tilespmem:s15+$0xFFFFFFE0]  }
0x23: {  	v8 =	vld [tilespmem:s31+$0x10]  }
0x24: {  	v11 =	vld [tilespmem:s31+$0xFFFFFFF0]  }
0x25: {  	v13 =	vld [tilespmem:s31+$0x0]  }
0x26: {  	s15 =	simm.s32 $0x76E0;
	v15 =	vld [tilespmem:s31+$0xFFFFFFE0]  }
0x27: {  	v9 =	vld [tilespmem:s15+$0x10]  }
0x28: {  	v10 =	vld [tilespmem:s15+$0xFFFFFFE0]  }
0x29: {  	v12 =	vld [tilespmem:s15+$0xFFFFFFF0]  }
0x2a: {  	v14 =	vld [tilespmem:s15+$0x0]  }
0x2b: {  	v0 =	vld.idx.msk [tilespmem:v0+s3+$0x0], $0xffff  }
0x2c: {  	v1 =	vld.idx.msk [tilespmem:v1+s10+$0x0], $0xffff  }
0x2d: {  	v2 =	vld.idx.msk [tilespmem:v2+s10+$0x0], $0xffff  }
0x2e: {  	v3 =	vld.idx.msk [tilespmem:v3+s3+$0x0], $0xffff  }
0x2f: {  	v4 =	vld.idx.msk [tilespmem:v4+s10+$0x0], $0xffff  }
0x30: {  	v5 =	vld.idx.msk [tilespmem:v5+s3+$0x0], $0xffff  }
0x31: {  	v6 =	vld.idx.msk [tilespmem:v6+s10+$0x0], $0xffff  }
0x32: {  	v7 =	vld.idx.msk [tilespmem:v7+s3+$0x0], $0xffff  }
0x33: {  	v8 =	vld.idx.msk [tilespmem:v8+s3+$0x0], $0xffff  }
0x34: {  	v9 =	vld.idx.msk [tilespmem:v9+s10+$0x0], $0xffff  }
0x35: {  	v16 =	vadd.f32 v1, v0;
	v0 =	vld.idx.msk [tilespmem:v10+s10+$0x0], $0xffff  }
0x36: {  	s16 =	simm.s32 $0x9E20;
	v4 =	vadd.f32 v4, v3;
	v1 =	vld.idx.msk [tilespmem:v11+s3+$0x0], $0xffff  }
0x37: {  	v5 =	vadd.f32 v6, v5;
	v3 =	vld.idx.msk [tilespmem:v12+s10+$0x0], $0xffff;
	[tilespmem:s16+$0x10] =	vst v16  }
0x38: {  	v6 =	vadd.f32 v2, v7;
	v2 =	vld.idx.msk [tilespmem:v13+s3+$0x0], $0xffff;
	[tilespmem:s16+$0xFFFFFFF0] =	vst v4  }
0x39: {  	[tilespmem:s16+$0x0] =	vst v5;
	v4 =	vld.idx.msk [tilespmem:v14+s10+$0x0], $0xffff  }
0x3a: {  	s17 =	simm.s32 $0x4;
	s18 =	simm.s32 $0x4FA0;
	[tilespmem:s16+$0xFFFFFFE0] =	vst v6;
	v5 =	vld.idx.msk [tilespmem:v15+s3+$0x0], $0xffff;
	v6 =	vadd.f32 v9, v8  }
.LBB2_2:
0x3b: {  	v7 =	vld [tilespmem:s18+$0x10];
	s15 =	sadd.s32 $0x40, s15;
	s16 =	sadd.s32 $0x40, s16  }
0x3c: {  	s17 =	sadd.s32 $0x4, s17;
	v8 =	vld [tilespmem:s15+$0x10];
	[tilespmem:s16+$0x10] =	vst v6  }
0x3d: {  	p0 =	slt.u32 s17, $0x26C;
	v1 =	vadd.f32 v3, v1;
	v6 =	vld [tilespmem:s15+$0xFFFFFFE0]  }
0x3e: {  	v3 =	vld [tilespmem:s18+$0xFFFFFFF0]  }
0x3f: {  	v9 =	vld [tilespmem:s15+$0xFFFFFFF0];
	[tilespmem:s16+$0xFFFFFFF0] =	vst v1;
	v1 =	vadd.f32 v4, v2  }
0x40: {  	v0 =	vadd.f32 v0, v5;
	v2 =	vld [tilespmem:s18+$0x0]  }
0x41: {  	v4 =	vld [tilespmem:s15+$0x0];
	[tilespmem:s16+$0x0] =	vst v1  }
0x42: {  	v5 =	vld [tilespmem:s18+$0xFFFFFFE0];
	[tilespmem:s16+$0xFFFFFFE0] =	vst v0  }
0x43: {  	v7 =	vld.idx.msk [tilespmem:v7+s3+$0x0], $0xffff  }
0x44: {  	v8 =	vld.idx.msk [tilespmem:v8+s10+$0x0], $0xffff  }
0x45: {  	v0 =	vld.idx.msk [tilespmem:v6+s10+$0x0], $0xffff  }
.Ltmp0:
0x46: {  	v1 =	vld.idx.msk [tilespmem:v3+s3+$0x0], $0xffff;
	(pc) =	sbr.rel @p0 .LBB2_2-.Ltmp0, $4  }
0x47: {  	v3 =	vld.idx.msk [tilespmem:v9+s10+$0x0], $0xffff  }
0x48: {  	v2 =	vld.idx.msk [tilespmem:v2+s3+$0x0], $0xffff  }
0x49: {  	v4 =	vld.idx.msk [tilespmem:v4+s10+$0x0], $0xffff  }
0x4a: {  	s18 =	sadd.s32 $0x40, s18;
	v6 =	vadd.f32 v8, v7;
	v5 =	vld.idx.msk [tilespmem:v5+s3+$0x0], $0xffff  }
0x4b: {  	_ =	sdelay $0x1  }
0x4c: {  	s15 =	sadd.s32 $0x40, s16;
	v1 =	vadd.f32 v3, v1  }
0x4d: {  	[tilespmem:s15+$0x10] =	vst v6;
	v2 =	vadd.f32 v4, v2  }
0x4e: {  	[tilespmem:s15+$0xFFFFFFF0] =	vst v1;
	v0 =	vadd.f32 v0, v5  }
0x4f: {  	[tilespmem:s15+$0x0] =	vst v2  }
0x50: {  	[tilespmem:s15+$0xFFFFFFE0] =	vst v0  }
0x51: {  	v0 =	vld [tilespmem:$0x7600]  }
0x52: {  	v1 =	vld [tilespmem:$0x9D80];
	_ =	sdelay $0x6  }
0x53: {  	v0 =	vld.idx.msk [tilespmem:v0+s3+$0x0], $0xffff  }
0x54: {  	v1 =	vld.idx.msk [tilespmem:v1+s10+$0x0], $0xffff;
	_ =	sdelay $0x4  }
0x55: {  	s14 =	sadd.s32 $0x1, s14;
	v0 =	vadd.f32 v1, v0  }
0x56: {  	p0 =	sne.s32 s14, s8  }
.Ltmp1:
0x57: {  	[tilespmem:$0xC500] =	vst v0;
	(pc) =	sbr.rel @p0 .LBB2_1-.Ltmp1, $4  }
0x58: {  	[hbm4b:s7+s3] =	stream.linear.scatter [tilespmem:s13], [sflag:$0x1], $0x2710, $0x38;
	[tilespmem:$0xC580] =	vst v63  }
0x59: {  	_ =	swait.ge [sflag:s9], $0x2710  }
0x5a: {  	[sflag:s9] =	ssyncset.done $0x0  }
0x5b: {  	[sflag:s9] =	ssyncadd.s32 $0xFFFFD8F0  }
0x5c: {  	_ =	sfence.sel $0x180000  }
0x5d: {  	[bflag:$0x0] =	sbarrier.arrive $0xFFFF  }
0x5e: {  	p0 =	sne.s32 s0, $0x0;
	_ =	strace $0x90000047  }
0x5f: {  	s0 =	sadd.s32 @!p0 $0x100000, s1;
	[bflag:$0x2] =	sbarrier.arrive $0xFFFF  }
0x60: {  	[sflag:s0] =	ssyncadd.tile.s32 @!p0 $0x1;
	_ =	shalt  }
.Lfunc_end2:
_tile_overlayer_lowered:
.L_overlay_start_2:
0x61: {  	(tag) =	ssettag $0x2  }
0x62: {  	s0 =	rddreg [dreg:$0x0];
	s2 =	stileid.u32  }
0x63: {  	s1 =	rddreg [dreg:$0x1];
	p0 =	sne.s32 s2, $0x0  }
0x64: {  	s3 =	rddreg [dreg:$0x2];
	[bflag:$0x3] =	sbarrier.arrive $0xFFFF;
	s2 =	simm.s32 @!p0 $0x1C01  }
0x65: {  	[timem:s3], [sflag:s2] =	dma.local @!p0 [hbm:s0], s1  }
0x66: {  	s0 =	simm.s32 @!p0 $0x1  }
0x67: {  	_ =	swait.ge @!p0 [sflag:s0], s1  }
0x68: {  	s1 =	ssub.s32 @!p0 $0x0, s1;
	[sflag:s0] =	ssyncset.done @!p0 $0x0  }
0x69: {  	[sflag:s0] =	ssyncadd.s32 @!p0 s1  }
0x6a: {  	[bflag:$0x3] =	sbarrier.arrive $0xFFFF  }
0x6b: {  	_ =	shalt  }

// kernel: kernel.9.cloned.1.call-start
scs
__scs_entry_jumppad:
0x0: {  	(pc) =	sbr.rel $0x88, $3  }
0x1: {  	(tag) =	ssettag $0x0;
	lr =	simm.s32 $0x1  }
0x2: {  	[smem:$0x3F9E] =	sst lr;
	_ =	strace $0xD0000000  }
0x3: {  	_ = 	snop  }
0x4: {  	_ = 	snop  }
0x5: {  	_ = 	snop  }
0x6: {  	_ = 	snop  }
0x7: {  	_ = 	snop  }
__scs_overlays_trampoline_lowered:
0x8: {  	[smem:$0x3FAD] =	sst s0  }
0x9: {  	[smem:$0x3FAE] =	sst s1  }
0xa: {  	[smem:$0x3FAF] =	sst s2  }
0xb: {  	[smem:$0x3FB0] =	sst s3  }
0xc: {  	[smem:$0x3FB1] =	sst s4  }
0xd: {  	[smem:$0x3FB2] =	sst s5  }
0xe: {  	[smem:$0x3FB3] =	sst s6  }
0xf: {  	[smem:$0x3FB4] =	sst s7  }
0x10: {  	[smem:$0x3FB5] =	sst s8  }
0x11: {  	[smem:$0x3FB6] =	sst s9;
	s0 =	simm.s32 @!p0 $0x0  }
0x12: {  	s1 =	sld [smem:$0x3F9C];
	s0 =	simm.s32 @p0 $0x1  }
0x13: {  	[smem:$0x3FB7] =	sst s0;
	s0 =	simm.s32 @!p1 $0x0  }
0x14: {  	s2 =	sld [smem:$0x3F9B];
	s0 =	simm.s32 @p1 $0x1  }
0x15: {  	[smem:$0x3FB8] =	sst s0;
	s0 =	simm.s32 @!p2 $0x0  }
0x16: {  	s3 =	sld [smem:$0x3FDB];
	s0 =	simm.s32 @p2 $0x1  }
0x17: {  	s4 =	simm.s32 $0x1BF5;
	[smem:$0x3FBA] =	sst s0  }
0x18: {  	s0 =	sld [smem:$0x3F9D];
	_ =	swait.ge [sflag:s4], $0x0  }
0x19: {  	s7 =	sld [smem:$0x3F9E]  }
0x1a: {  	s8 =	sadd.s32 $0xFFFFE003, lr  }
0x1b: {  	s9 =	sadd.s32 $0xFFFFFEF7, lr;
	s5 =	simm.s32 $0xFFFFFFFF;
	p2 =	slt.u32 s8, $0xFFFFF086  }
0x1c: {  	p1 =	slt.u32 s9, $0xF7A;
	s5 =	simm.s32 @!p2 $0x0  }
0x1d: {  	s5 =	simm.s32 @p1 $0x1;
	p0 =	seq.s32 s7, s2  }
0x1e: {  	s7 =	smul.u32 @!p0 $0xF7A, s2;
	p2 =	seq.s32 @!p0 s5, $0x0  }
0x1f: {  	s9 =	smul.u32 $0xF7A, s1;
	s8 =	simm.s32 @!p0 $0x1BF5;
	p2 =	por !p2, p0  }
0x20: {  	[sflag:s8] =	ssyncset.s32 @!p0 $0xFFFFF086;
	s6 =	sadd.s32 @!p0 s3, s7;
	s7 =	simm.s32 @!p0 $0x108  }
0x21: {  	s3 =	sadd.s32 s3, s9;
	s6 =	sadd.s32 @!p0 $0x88, s6;
	s7 =	simm.s32 @p2 $0x1082  }
0x22: {  	[simem:s7], [sflag:s8] =	dma.local @!p0 [hbm:s6], $0xF7A  }
0x23: {  	s9 =	sor.u32 $0xD0000000, s2;
	s6 =	simm.s32 $0x108;
	_ =	swait.ge @!p0 [sflag:s8], $0x0  }
0x24: {  	s3 =	sadd.s32 $0x88, s3;
	s6 =	simm.s32 @!p1 $0x1082;
	[sflag:s4] =	ssyncset.s32 $0xFFFFF086  }
0x25: {  	[simem:s6], [sflag:s4] =	dma.local [hbm:s3], $0xF7A  }
0x26: {  	[smem:$0x3F9E] =	sst s1;
	(tag) =	ssettag s2;
	_ =	strace s9  }
0x27: {  	s1 =	sld [smem:$0x3FAE]  }
0x28: {  	s2 =	sld [smem:$0x3FAF]  }
0x29: {  	s4 =	sld [smem:$0x3FB1]  }
0x2a: {  	p0 =	seq.s32 s5, $0x0;
	s5 =	sld [smem:$0x3FB2]  }
0x2b: {  	s6 =	sld [smem:$0x3FB3]  }
0x2c: {  	s7 =	sld [smem:$0x3FB4]  }
0x2d: {  	s3 =	simm.s32 $0x108;
	s8 =	sld [smem:$0x3FB5]  }
0x2e: {  	s3 =	simm.s32 @!p0 $0x1082;
	s9 =	sld [smem:$0x3FB6]  }
0x2f: {  	lr =	sadd.s32 s0, s3;
	s0 =	sld [smem:$0x3FAD]  }
0x30: {  	s3 =	sld [smem:$0x3FB0]  }
0x31: {  	[smem:$0x3FB9] =	sst s10  }
0x32: {  	s10 =	sld [smem:$0x3FB7];
	_ =	sdelay $0x3  }
0x33: {  	p0 =	seq.s32 s10, $0x1;
	s10 =	sld [smem:$0x3FB9];
	_ =	sdelay $0x3  }
0x34: {  	[smem:$0x3FB9] =	sst s10  }
0x35: {  	s10 =	sld [smem:$0x3FB8];
	_ =	sdelay $0x3  }
0x36: {  	p1 =	seq.s32 s10, $0x1;
	s10 =	sld [smem:$0x3FB9];
	_ =	sdelay $0x3  }
0x37: {  	[smem:$0x3FB9] =	sst s10  }
0x38: {  	s10 =	sld [smem:$0x3FBA]  }
0x39: {  	_ = 	snop;
	(pc) =	sbr.ind lr, $3  }
0x3a: {  	_ = 	snop  }
0x3b: {  	_ = 	snop  }
0x3c: {  	p2 =	seq.s32 s10, $0x1;
	s10 =	sld [smem:$0x3FB9]  }
0x3d: {  	_ =	shalt  }
0x3e: {  	_ =	shalt  }
0x3f: {  	_ =	shalt  }
0x40: {  	_ =	shalt  }
0x41: {  	_ =	shalt  }
0x42: {  	_ =	shalt  }
0x43: {  	_ =	shalt  }
0x44: {  	_ =	shalt  }
0x45: {  	_ =	shalt  }
0x46: {  	_ =	shalt  }
0x47: {  	_ =	shalt  }
0x48: {  	_ =	shalt  }
0x49: {  	_ =	shalt  }
0x4a: {  	_ =	shalt  }
0x4b: {  	_ =	shalt  }
0x4c: {  	_ =	shalt  }
0x4d: {  	_ =	shalt  }
0x4e: {  	_ =	shalt  }
0x4f: {  	_ =	shalt  }
0x50: {  	_ =	shalt  }
0x51: {  	_ =	shalt  }
0x52: {  	_ =	shalt  }
0x53: {  	_ =	shalt  }
0x54: {  	_ =	shalt  }
0x55: {  	_ =	shalt  }
0x56: {  	_ =	shalt  }
0x57: {  	_ =	shalt  }
0x58: {  	_ =	shalt  }
0x59: {  	_ =	shalt  }
0x5a: {  	_ =	shalt  }
0x5b: {  	_ =	shalt  }
0x5c: {  	_ =	shalt  }
0x5d: {  	_ =	shalt  }
0x5e: {  	_ =	shalt  }
0x5f: {  	_ =	shalt  }
0x60: {  	_ =	shalt  }
0x61: {  	_ =	shalt  }
0x62: {  	_ =	shalt  }
0x63: {  	_ =	shalt  }
0x64: {  	_ =	shalt  }
0x65: {  	_ =	shalt  }
0x66: {  	_ =	shalt  }
0x67: {  	_ =	shalt  }
0x68: {  	_ =	shalt  }
0x69: {  	_ =	shalt  }
0x6a: {  	_ =	shalt  }
0x6b: {  	_ =	shalt  }
0x6c: {  	_ =	shalt  }
0x6d: {  	_ =	shalt  }
0x6e: {  	_ =	shalt  }
0x6f: {  	_ =	shalt  }
0x70: {  	_ =	shalt  }
0x71: {  	_ =	shalt  }
0x72: {  	_ =	shalt  }
0x73: {  	_ =	shalt  }
0x74: {  	_ =	shalt  }
0x75: {  	_ =	shalt  }
0x76: {  	_ =	shalt  }
0x77: {  	_ =	shalt  }
0x78: {  	_ =	shalt  }
0x79: {  	_ =	shalt  }
0x7a: {  	_ =	shalt  }
0x7b: {  	_ =	shalt  }
0x7c: {  	_ =	shalt  }
0x7d: {  	_ =	shalt  }
0x7e: {  	_ =	shalt  }
0x7f: {  	_ =	shalt  }
0x80: {  	_ =	shalt  }
0x81: {  	_ =	shalt  }
0x82: {  	_ =	shalt  }
0x83: {  	_ =	shalt  }
0x84: {  	_ =	shalt  }
0x85: {  	_ =	shalt  }
0x86: {  	_ =	shalt  }
0x87: {  	_ =	shalt  }
.Lfunc_end0:
.L_simem_size_0:
called_computation.1_lowered:
.L_overlay_start_0:
0x88: {  	s2 =	sld [smem:$0x3FD9]  }
0x89: {  	s3 =	sld [smem:$0x3FFE];
	_ =	sdelay $0x1  }
0x8a: {  	s1 =	srdreg.scid  }
0x8b: {  	s0 =	sand.u32 $0x1, s1  }
0x8c: {  	s17 =	sshll.u32 s0, $0xA;
	s2 =	sadd.s32 s3, s2  }
0x8d: {  	s2 =	sadd.s32 s2, s17  }
0x8e: {  	[smem:$0x3FC5] =	sst s2  }
0x8f: {  	_ = 	snop  }
0x90: {  	s2 =	sld [smem:$0x3FC9]  }
0x91: {  	s18 =	sld [smem:$0x3FD0];
	(tm) =	ssettm $0x1  }
0x92: {  	s4 =	sld [smem:$0x3FFB];
	_ =	sdelay $0x3  }
0x93: {  	_ =	strace s4  }
0x94: {  	s4 =	sld [smem:$0x3FFC];
	_ =	sdelay $0x3  }
0x95: {  	_ =	strace s4  }
0x96: {  	s4 =	sld [smem:$0x3FFD];
	_ =	sdelay $0x3  }
0x97: {  	_ =	strace s4  }
0x98: {  	_ =	strace $0x8FFFFFFF  }
0x99: {  	s19 =	sld [smem:$0x3FDB];
	_ =	sdelay $0x1  }
0x9a: {  	s5 =	simm.s32 $_scs_section_size  }
0x9b: {  	s6 =	simm.s32 $_size__tile_overlayer_lowered;
	s7 =	simm.s32 $_tile_overlayer_lowered  }
0x9c: {  	s22 =	simm.s32 $0x1BFF;
	s21 =	sshll.u32 s7, $0x1;
	s4 =	sadd.s32 s5, s19  }
0x9d: {  	s8 =	simm.s32 $0x0;
	s20 =	sshll.u32 s6, $0x1;
	s6 =	sadd.s32 s21, s4  }
0x9e: {  	[timem:s8], [sflag:s22] =	dma.local [hbm:s6], s20  }
0x9f: {  	_ =	swait.ge [sflag:s22], s20  }
0xa0: {  	s5 =	ssub.s32 $0x0, s20;
	[sflag:s22] =	ssyncset.done $0x0  }
0xa1: {  	[sflag:s22] =	ssyncadd.s32 s5;
	_ =	sdelay $0x1  }
0xa2: {  	s23 =	simm.s32 $0x1B8B  }
0xa3: {  	_ =	swait.ge [sflag:s23], $0x1  }
0xa4: {  	[sflag:s23] =	ssyncset.done $0x0  }
0xa5: {  	s25 =	simm.s32 $0x1B8E;
	s24 =	sld [smem:$0x3FFE];
	[sflag:s23] =	ssyncadd.s32 $0xFFFFFFFF  }
0xa6: {  	s26 =	simm.s32 $execute0_lowered;
	[smem:$0x3FD2] =	sst s25  }
0xa7: {  	s6 =	sshll.u32 s26, $0x1;
	_ =	strace $0x80000049;
	[dreg:$0x1] =	wrdreg $0xFFFFFFFF  }
0xa8: {  	s28 =	simm.s32 $_size_execute0_lowered;
	s4 =	sadd.s32 s4, s6;
	[dreg:$0x0] =	wrdreg $0x0  }
0xa9: {  	s6 =	sshll.u32 s28, $0x1;
	[dreg:$0x2] =	wrdreg s4  }
0xaa: {  	[dreg:$0x3] =	wrdreg s6  }
0xab: {  	[dreg:$0x4] =	wrdreg $0xC0  }
0xac: {  	_ =	task [dreg:s8], $0x5FFFF  }
0xad: {  	[dreg:$0x1] =	wrdreg $0xFFFFFFFF  }
0xae: {  	[dreg:$0x0] =	wrdreg $0x60  }
0xaf: {  	[dreg:$0x2] =	wrdreg s2  }
0xb0: {  	[dreg:$0x3] =	wrdreg s24  }
0xb1: {  	[dreg:$0x4] =	wrdreg s18  }
0xb2: {  	[dreg:$0x5] =	wrdreg $0xA6000  }
0xb3: {  	[dreg:$0x6] =	wrdreg $0x9  }
0xb4: {  	_ =	task.clear_ibuf [dreg:s8], $0x7FFFF;
	_ =	strace $0x90000049  }
0xb5: {  	s29 =	simm.s32 $0x9;
	_ =	strace $0x8000004B  }
0xb6: {  	_ =	swait.ge [sflag:s29], $0x1  }
0xb7: {  	[sflag:s29] =	ssyncadd.s32 $0xFFFFFFFF  }
0xb8: {  	_ =	strace $0x9000004B  }
0xb9: {  	_ =	sfence  }
0xba: {  	s30 =	sld [smem:$0x0];
	_ =	sdelay $0x2  }
0xbb: {  	s31 =	sshll.u32 s1, $0xD;
	s1 =	sshrl.u32 s1, $0x2  }
0xbc: {  	s3 =	sand.u32 $0x4000, s31;
	s1 =	sadd.s32 s1, s30  }
0xbd: {  	s0 =	sor.u32 s3, s0;
	s1 =	sshll.u32 s1, $0x11  }
0xbe: {  	s0 =	sor.u32 s1, s0  }
0xbf: {  	s0 =	sadd.s32 $0x8F2B, s0  }
0xc0: {  	[sflag:s0] =	ssyncadd.remote.s32 $0x1  }
0xc1: {  	_ =	sfence.sel $0xFFFF  }
0xc2: {  	[dreg:$0x0] =	wrdreg $0xFFFFFFFF;
	(pc) =	sbr.abs _section_cstart, $3  }
0xc3: {  	[dreg:$0x1] =	wrdreg $0xFFFFFFFF  }
0xc4: {  	_ =	task.clear_ibuf [dreg:s8], $0x2FFFF;
	_ =	strace $0x9FFFFFFF  }
0xc5: {  	(tm) =	ssettm $0x7FFFFFFF  }
tec
execute0_lowered:
.L_overlay_start_1:
0x0: {  	(tag) =	ssettag $0x1  }
0x1: {  	s0 =	rddreg [dreg:$0x1]  }
0x2: {  	s1 =	srdreg.scid;
	s9 =	stileid.u32  }
0x3: {  	s2 =	rddreg [dreg:$0x2];
	s1 =	sand.u32 $0x1, s1;
	s5 =	sshll.u32 s9, $0x1  }
0x4: {  	s3 =	rddreg [dreg:$0x3];
	s6 =	sor.u32 s1, s5  }
0x5: {  	s4 =	simm.s32 $0x0;
	s31 =	simm.s32 $0x9;
	s6 =	smul.u32 $0x2710, s6  }
0x6: {  	s30 =	simm.s32 $0xA;
	[smem:$0x7FF] =	sst s4;
	s7 =	sadd.s32 $0xC00, s0  }
0x7: {  	s8 =	sadd.s32 $0x14800, s0;
	s5 =	sadd.s32 $0xAA00, s0;
	s18 =	sshrl.u32 s6, $0x3  }
0x8: {  	_ =	strace $0x8000004A;
	s1 =	ssub.s32 $0x2, s1;
	s11 =	sadd.s32 s5, s18  }
0x9: {  	s10 =	sadd.s32 $0x28, s6;
	s19 =	sadd.s32 s7, s18;
	[dreg:$0x5] =	wrdreg s11  }
0xa: {  	s10 =	sshrl.u32 s10, $0x3;
	s20 =	sadd.s32 s8, s18;
	[dreg:$0x6] =	wrdreg s19  }
0xb: {  	s17 =	sshrl.u32 s1, $0x1;
	[dreg:$0x7] =	wrdreg s20;
	s21 =	sadd.s32 s5, s10  }
0xc: {  	s0 =	ssub.s32 s1, s17;
	s22 =	sadd.s32 s7, s10;
	[dreg:$0x8] =	wrdreg s21  }
0xd: {  	s1 =	sadd.s32 $0xA, s18;
	s10 =	sadd.s32 s8, s10;
	[dreg:$0x9] =	wrdreg s22  }
0xe: {  	s29 =	simm.s32 $0x5;
	s24 =	sadd.s32 s5, s1;
	[dreg:$0xa] =	wrdreg s10  }
0xf: {  	p0 =	sne.s32 s9, $0x0;
	s25 =	sadd.s32 s7, s1;
	[dreg:$0xb] =	wrdreg s24  }
0x10: {  	s23 =	sadd.s32 $0x78, s6;
	s1 =	sadd.s32 s8, s1;
	[dreg:$0xc] =	wrdreg s25  }
0x11: {  	s9 =	simm.s32 $0x6;
	s10 =	sshrl.u32 s23, $0x3;
	[dreg:$0xd] =	wrdreg s1  }
0x12: {  	s21 =	sadd.s32 $0xA0, s6;
	s22 =	sadd.s32 $0x80, s2;
	s23 =	smax.u32 s0, $0x1  }
0x13: {  	s25 =	simm.s32 $0x400;
	s0 =	simm.s32 $0x28;
	s26 =	sadd.s32 s5, s10  }
0x14: {  	s1 =	simm.s32 $0x800;
	s28 =	sadd.s32 s7, s10;
	[dreg:$0xe] =	wrdreg s26  }
0x15: {  	s20 =	sadd.s32 s8, s10;
	s10 =	simm.s32 $0x0;
	[dreg:$0xf] =	wrdreg s28  }
.LBB2_1:
0x16: {  	s11 =	sshrl.u32 @!p0 s3, $0x3;
	s12 =	simm.s32 @!p0 $0x1C0D;
	s13 =	rddreg [dreg:$0x0]  }
0x17: {  	[spmem:s11], [sflag:s12] =	dma.local @!p0 [hbm:s13], $0x27100  }
0x18: {  	s11 =	simm.s32 @!p0 $0xD  }
0x19: {  	_ =	swait.ge @!p0 [sflag:s11], $0x27100  }
0x1a: {  	[sflag:s11] =	ssyncset.done @!p0 $0x0  }
0x1b: {  	[sflag:s11] =	ssyncadd.s32 @!p0 $0xFFFD8F00  }
0x1c: {  	[bflag:$0x0] =	sbarrier.arrive $0xFFFF  }
0x1d: {  	s17 =	rddreg [dreg:$0x5]  }
0x1e: {  	[tilespmem:s4], [sflag:$0x9] =	stream.linear.gather [hbm4b:s17+s4], $0x28, $0x38;
	[tilespmem:$0x1DE80] =	vst v63  }
0x1f: {  	s12 =	simm.s32 $0x200;
	s18 =	rddreg [dreg:$0x6]  }
0x20: {  	[tilespmem:s12], [sflag:$0x9] =	stream.linear.gather [hbm4b:s18+s4], $0x28, $0x38;
	[tilespmem:$0x1DE80] =	vst v63  }
0x21: {  	s19 =	rddreg [dreg:$0x7]  }
0x22: {  	[tilespmem:s25], [sflag:$0x9] =	stream.linear.gather [hbm4b:s19+s4], $0x28, $0x38;
	[tilespmem:$0x1DE80] =	vst v63  }
0x23: {  	s13 =	simm.s32 $0x80;
	s24 =	rddreg [dreg:$0x8]  }
0x24: {  	[tilespmem:s13], [sflag:$0xA] =	stream.linear.gather [hbm4b:s24+s4], $0x28, $0x38;
	[tilespmem:$0x1DE80] =	vst v63  }
0x25: {  	s14 =	simm.s32 $0x280;
	s26 =	rddreg [dreg:$0x9]  }
0x26: {  	[tilespmem:s14], [sflag:$0xA] =	stream.linear.gather [hbm4b:s26+s4], $0x28, $0x38;
	[tilespmem:$0x1DE80] =	vst v63  }
0x27: {  	s15 =	simm.s32 $0x480;
	s28 =	rddreg [dreg:$0xa]  }
0x28: {  	[tilespmem:s15], [sflag:$0xA] =	stream.linear.gather [hbm4b:s28+s4], $0x28, $0x38;
	[tilespmem:$0x1DE80] =	vst v63  }
0x29: {  	s16 =	simm.s32 $0x100;
	s15 =	rddreg [dreg:$0xb]  }
0x2a: {  	[tilespmem:s16], [sflag:$0xB] =	stream.linear.gather [hbm4b:s15+s4], $0x28, $0x38;
	[tilespmem:$0x1DE80] =	vst v63  }
0x2b: {  	s17 =	rddreg [dreg:$0xc];
	s18 =	simm.s32 $0x300  }
0x2c: {  	[tilespmem:s18], [sflag:$0xB] =	stream.linear.gather [hbm4b:s17+s4], $0x28, $0x38;
	[tilespmem:$0x1DE80] =	vst v63  }
0x2d: {  	s19 =	rddreg [dreg:$0xd];
	s24 =	simm.s32 $0x500  }
0x2e: {  	[tilespmem:s24], [sflag:$0xB] =	stream.linear.gather [hbm4b:s19+s4], $0x28, $0x38;
	[tilespmem:$0x1DE80] =	vst v63  }
0x2f: {  	s26 =	rddreg [dreg:$0xe];
	s28 =	simm.s32 $0x180  }
0x30: {  	[tilespmem:s28], [sflag:$0xC] =	stream.linear.gather [hbm4b:s26+s4], $0x28, $0x38;
	[tilespmem:$0x1DE80] =	vst v63  }
0x31: {  	s16 =	rddreg [dreg:$0xf];
	s17 =	simm.s32 $0x380  }
0x32: {  	[tilespmem:s17], [sflag:$0xC] =	stream.linear.gather [hbm4b:s16+s4], $0x28, $0x38;
	[tilespmem:$0x1DE80] =	vst v63  }
0x33: {  	s18 =	simm.s32 $0x580  }
0x34: {  	[tilespmem:s18], [sflag:$0xC] =	stream.linear.gather [hbm4b:s20+s4], $0x28, $0x38;
	[tilespmem:$0x1DE80] =	vst v63  }
0x35: {  	_ =	swait.ge [sflag:s31], $0x28  }
0x36: {  	[sflag:s31] =	ssyncset.done $0x0  }
0x37: {  	[sflag:s31] =	ssyncadd.s32 $0xFFFFFFD8  }
0x38: {  	_ =	swait.ge [sflag:s31], $0x28  }
0x39: {  	[sflag:s31] =	ssyncset.done $0x0  }
0x3a: {  	[sflag:s31] =	ssyncadd.s32 $0xFFFFFFD8  }
0x3b: {  	_ =	swait.ge [sflag:s31], $0x28  }
0x3c: {  	[sflag:s31] =	ssyncset.done $0x0  }
0x3d: {  	s19 =	simm.s32 $0x600;
	[sflag:s31] =	ssyncadd.s32 $0xFFFFFFD8  }
0x3e: {  	[tilespmem:s19], [sflag:$0x1] =	stream.indirect.gather [spmem:s3], $0x80, s4, s0, $0xb8;
	[tilespmem:$0x1DE80] =	vst v63  }
0x3f: {  	s24 =	simm.s32 $0x5600  }
0x40: {  	[tilespmem:s24], [sflag:$0x1] =	stream.indirect.gather [spmem:s3], $0x80, s12, s0, $0xb8;
	[tilespmem:$0x1DE80] =	vst v63  }
0x41: {  	_ =	swait.ge [sflag:s30], $0x28  }
0x42: {  	[sflag:s30] =	ssyncset.done $0x0  }
0x43: {  	[sflag:s30] =	ssyncadd.s32 $0xFFFFFFD8  }
0x44: {  	_ =	swait.ge [sflag:s30], $0x28  }
0x45: {  	[sflag:s30] =	ssyncset.done $0x0  }
0x46: {  	[sflag:s30] =	ssyncadd.s32 $0xFFFFFFD8  }
0x47: {  	_ =	swait.ge [sflag:s30], $0x28  }
0x48: {  	[sflag:s30] =	ssyncset.done $0x0  }
0x49: {  	s26 =	simm.s32 $0x1A00;
	[sflag:s30] =	ssyncadd.s32 $0xFFFFFFD8  }
0x4a: {  	[tilespmem:s26], [sflag:$0x2] =	stream.indirect.gather [spmem:s3], $0x80, s13, s0, $0xb8;
	[tilespmem:$0x1DE80] =	vst v63  }
0x4b: {  	s11 =	simm.s32 $0x0;
	s28 =	simm.s32 $0x6A00;
	s24 =	simm.s32 $0x0  }
0x4c: {  	[tilespmem:s28], [sflag:$0x2] =	stream.indirect.gather [spmem:s3], $0x80, s14, s0, $0xb8;
	[tilespmem:$0x1DE80] =	vst v63  }
.LBB2_2:
0x4d: {  	s12 =	sand.u32 $0x3, s11  }
0x4e: {  	p1 =	slt.u32 s11, $0x2;
	s13 =	sxor.u32 $0x2, s12  }
0x4f: {  	s14 =	sadd.s32 @!p1 $0x5, s13  }
0x50: {  	_ =	swait.ge @!p1 [sflag:s14], $0x1400  }
0x51: {  	[sflag:s14] =	ssyncset.done @!p1 $0x0  }
0x52: {  	[sflag:s14] =	ssyncadd.s32 @!p1 $0xFFFFEC00  }
0x53: {  	p2 =	sgt.u32 @!p1 s11, $0xF7;
	_ =	swait.ge @!p1 [sflag:s14], $0x1400  }
0x54: {  	p2 =	por p1, !p2;
	[sflag:s14] =	ssyncset.done @!p1 $0x0  }
0x55: {  	[sflag:s14] =	ssyncadd.s32 @!p1 $0xFFFFEC00;
	s14 =	sadd.s32 @p2 $0x9, s13  }
0x56: {  	_ =	swait.ge @p2 [sflag:s14], $0x28  }
0x57: {  	[sflag:s14] =	ssyncset.done @p2 $0x0  }
0x58: {  	[sflag:s14] =	ssyncadd.s32 @p2 $0xFFFFFFD8  }
0x59: {  	_ =	swait.ge @p2 [sflag:s14], $0x28  }
0x5a: {  	[sflag:s14] =	ssyncset.done @p2 $0x0  }
0x5b: {  	s17 =	simm.s32 $0x0;
	[sflag:s14] =	ssyncadd.s32 @p2 $0xFFFFFFD8  }
0x5c: {  	s18 =	simm.s32 $0x1;
	s15 =	smul.u32 @p2 $0x1400, s13;
	_ =	swait.ge @p2 [sflag:s14], $0x28  }
0x5d: {  	s26 =	simm.s32 $0x2;
	s16 =	sshll.u32 @p2 s13, $0x7;
	[sflag:s14] =	ssyncset.done @p2 $0x0  }
0x5e: {  	s13 =	sadd.s32 @p2 $0x1, s13;
	[sflag:s14] =	ssyncadd.s32 @p2 $0xFFFFFFD8;
	s14 =	sadd.s32 @p2 $0x600, s15  }
0x5f: {  	[tilespmem:s14], [sflag:s13] =	stream.indirect.gather @p2 [spmem:s3], $0x80, s16, s0, $0xb8;
	[tilespmem:$0x1DE80] =	vst v63  }
0x60: {  	v0 =	vmov s17;
	s19 =	sadd.s32 $0x1, s12;
	s15 =	sadd.s32 @p2 $0x5600, s15;
	s14 =	sor.u32 @p2 $0x200, s16  }
0x61: {  	v1 =	vmov s18;
	v0 =	vand.u32 $0xFFFFFFFC, v0;
	[tilespmem:s15], [sflag:s13] =	stream.indirect.gather @p2 [spmem:s3], $0x80, s14, s0, $0xb8;
	[tilespmem:$0x1DE80] =	vst v63  }
0x62: {  	v2 =	vmov s26;
	v1 =	vand.u32 $0xFFFFFFFD, v1;
	v0 =	vbroadcast v0, $0x0;
	_ =	swait.ge [sflag:s19], $0x1400  }
0x63: {  	v2 =	vand.u32 $0xFFFFFFFE, v2;
	v1 =	vbroadcast v1, $0x0;
	[sflag:s19] =	ssyncset.done $0x0  }
0x64: {  	v2 =	vbroadcast v2, $0x0;
	[sflag:s19] =	ssyncadd.s32 $0xFFFFEC00  }
0x65: {  	_ =	swait.ge [sflag:s19], $0x1400  }
0x66: {  	s16 =	sshll.u32 s12, $0x7;
	s15 =	sand.u32 $0x3, s24;
	[sflag:s19] =	ssyncset.done $0x0  }
0x67: {  	s16 =	sor.u32 $0x400, s16;
	s13 =	smul.u32 $0x5000, s15;
	[sflag:s19] =	ssyncadd.s32 $0xFFFFEC00  }
0x68: {  	s17 =	simm.s32 $0x3;
	v5 =	vld.idx.msk [tilespmem:v0+s16+$0x0], $0xffff  }
0x69: {  	s13 =	sshrl.u32 s13, $0x2;
	v0 =	vmov s17;
	v6 =	vld.idx.msk [tilespmem:v1+s16+$0x0], $0xffff  }
0x6a: {  	s14 =	sadd.s32 $0x700, s13;
	v7 =	vld.idx.msk [tilespmem:v2+s16+$0x0], $0xffff  }
0x6b: {  	v1 =	vld [tilespmem:s14+$0x0]  }
0x6c: {  	v2 =	vld [tilespmem:s14+$0xFFFFFF00]  }
0x6d: {  	v3 =	vld [tilespmem:s14+$0xFFFFFF80]  }
0x6e: {  	v4 =	vld.idx.msk [tilespmem:v0+s16+$0x0], $0xffff  }
0x6f: {  	v0 =	vld [tilespmem:s14+$0x80]  }
0x70: {  	v1 =	vmul.f32 v1, v7  }
0x71: {  	v2 =	vmul.f32 v2, v5  }
0x72: {  	s28 =	sadd.s32 $0x5700, s13;
	v3 =	vmul.f32 v3, v6;
	[tilespmem:s14+$0x0] =	vst v1  }
0x73: {  	[tilespmem:s14+$0xFFFFFF00] =	vst v2;
	v1 =	vld [tilespmem:s28+$0x0]  }
0x74: {  	[tilespmem:s14+$0xFFFFFF80] =	vst v3;
	v2 =	vld [tilespmem:s28+$0xFFFFFF00];
	v0 =	vmul.f32 v0, v4  }
0x75: {  	v3 =	vld [tilespmem:s28+$0xFFFFFF80]  }
0x76: {  	[tilespmem:s14+$0x80] =	vst v0  }
0x77: {  	v0 =	vld [tilespmem:s28+$0x80]  }
0x78: {  	v1 =	vmul.f32 v1, v7  }
0x79: {  	v2 =	vmul.f32 v2, v5  }
0x7a: {  	v3 =	vmul.f32 v3, v6;
	[tilespmem:s28+$0x0] =	vst v1  }
0x7b: {  	[tilespmem:s28+$0xFFFFFF00] =	vst v2;
	v1 =	vld [tilespmem:s14+$0x10]  }
0x7c: {  	[tilespmem:s28+$0xFFFFFF80] =	vst v3;
	v2 =	vld [tilespmem:s14+$0xFFFFFF10];
	v0 =	vmul.f32 v0, v4  }
0x7d: {  	v3 =	vld [tilespmem:s14+$0xFFFFFF90]  }
0x7e: {  	[tilespmem:s28+$0x80] =	vst v0  }
0x7f: {  	v0 =	vld [tilespmem:s14+$0x90]  }
0x80: {  	v1 =	vmul.f32 v1, v7  }
0x81: {  	v2 =	vmul.f32 v2, v5  }
0x82: {  	v3 =	vmul.f32 v3, v6;
	[tilespmem:s14+$0x10] =	vst v1  }
0x83: {  	[tilespmem:s14+$0xFFFFFF10] =	vst v2;
	v1 =	vld [tilespmem:s28+$0x10]  }
0x84: {  	[tilespmem:s14+$0xFFFFFF90] =	vst v3;
	v2 =	vld [tilespmem:s28+$0xFFFFFF10];
	v0 =	vmul.f32 v0, v4  }
0x85: {  	v3 =	vld [tilespmem:s28+$0xFFFFFF90]  }
0x86: {  	[tilespmem:s14+$0x90] =	vst v0  }
0x87: {  	v0 =	vld [tilespmem:s28+$0x90]  }
0x88: {  	v1 =	vmul.f32 v1, v7  }
0x89: {  	v2 =	vmul.f32 v2, v5  }
0x8a: {  	v3 =	vmul.f32 v3, v6;
	[tilespmem:s28+$0x10] =	vst v1  }
0x8b: {  	[tilespmem:s28+$0xFFFFFF10] =	vst v2;
	v1 =	vld [tilespmem:s14+$0x20]  }
0x8c: {  	[tilespmem:s28+$0xFFFFFF90] =	vst v3;
	v2 =	vld [tilespmem:s14+$0xFFFFFF20];
	v0 =	vmul.f32 v0, v4  }
0x8d: {  	v3 =	vld [tilespmem:s14+$0xFFFFFFA0]  }
0x8e: {  	[tilespmem:s28+$0x90] =	vst v0  }
0x8f: {  	v0 =	vld [tilespmem:s14+$0xA0]  }
0x90: {  	v1 =	vmul.f32 v1, v7  }
0x91: {  	v2 =	vmul.f32 v2, v5  }
0x92: {  	v3 =	vmul.f32 v3, v6;
	[tilespmem:s14+$0x20] =	vst v1  }
0x93: {  	[tilespmem:s14+$0xFFFFFF20] =	vst v2;
	v1 =	vld [tilespmem:s28+$0x20]  }
0x94: {  	[tilespmem:s14+$0xFFFFFFA0] =	vst v3;
	v2 =	vld [tilespmem:s28+$0xFFFFFF20];
	v0 =	vmul.f32 v0, v4  }
0x95: {  	v3 =	vld [tilespmem:s28+$0xFFFFFFA0]  }
0x96: {  	[tilespmem:s14+$0xA0] =	vst v0  }
0x97: {  	v0 =	vld [tilespmem:s28+$0xA0]  }
0x98: {  	v1 =	vmul.f32 v1, v7  }
0x99: {  	v2 =	vmul.f32 v2, v5  }
0x9a: {  	v3 =	vmul.f32 v3, v6;
	[tilespmem:s28+$0x20] =	vst v1  }
0x9b: {  	[tilespmem:s28+$0xFFFFFF20] =	vst v2;
	v1 =	vld [tilespmem:s14+$0x30]  }
0x9c: {  	[tilespmem:s28+$0xFFFFFFA0] =	vst v3;
	v2 =	vld [tilespmem:s14+$0xFFFFFF30];
	v0 =	vmul.f32 v0, v4  }
0x9d: {  	v3 =	vld [tilespmem:s14+$0xFFFFFFB0]  }
0x9e: {  	[tilespmem:s28+$0xA0] =	vst v0  }
0x9f: {  	v0 =	vld [tilespmem:s14+$0xB0]  }
0xa0: {  	s18 =	simm.s32 $0x4;
	v1 =	vmul.f32 v1, v7  }
0xa1: {  	v8 =	vmov s18;
	s19 =	simm.s32 $0x5;
	v2 =	vmul.f32 v2, v5  }
0xa2: {  	s26 =	simm.s32 $0x7;
	v8 =	vand.u32 $0xFFFFFFFC, v8;
	v9 =	vmov s19;
	v3 =	vmul.f32 v3, v6;
	[tilespmem:s14+$0x30] =	vst v1  }
0xa3: {  	v8 =	vbroadcast v8, $0x0;
	v9 =	vand.u32 $0xFFFFFFFD, v9;
	v1 =	vmov s26;
	[tilespmem:s14+$0xFFFFFF30] =	vst v2;
	v2 =	vld [tilespmem:s28+$0x30]  }
0xa4: {  	v9 =	vbroadcast v9, $0x0;
	[tilespmem:s14+$0xFFFFFFB0] =	vst v3;
	v10 =	vld [tilespmem:s28+$0xFFFFFF30];
	v0 =	vmul.f32 v0, v4  }
0xa5: {  	v11 =	vld [tilespmem:s28+$0xFFFFFFB0]  }
0xa6: {  	s17 =	simm.s32 $0x6;
	[tilespmem:s14+$0xB0] =	vst v0  }
0xa7: {  	v0 =	vmov s17;
	v12 =	vld [tilespmem:s28+$0xB0]  }
0xa8: {  	v3 =	vand.u32 $0xFFFFFFFE, v0;
	v0 =	vld.idx.msk [tilespmem:v1+s16+$0x0], $0xffff;
	v2 =	vmul.f32 v2, v7  }
0xa9: {  	v1 =	vld.idx.msk [tilespmem:v8+s16+$0x0], $0xffff;
	v8 =	vmul.f32 v10, v5;
	v13 =	vbroadcast v3, $0x0  }
0xaa: {  	v3 =	vld.idx.msk [tilespmem:v9+s16+$0x0], $0xffff;
	v9 =	vmul.f32 v11, v6;
	[tilespmem:s28+$0x30] =	vst v2  }
0xab: {  	s13 =	sadd.s32 $0x200, s14;
	[tilespmem:s28+$0xFFFFFF30] =	vst v8;
	v8 =	vld [tilespmem:s14+$0x40]  }
0xac: {  	v11 =	vld [tilespmem:s13+$0x0];
	[tilespmem:s28+$0xFFFFFFB0] =	vst v9  }
0xad: {  	v9 =	vld [tilespmem:s14+$0xFFFFFFC0]  }
0xae: {  	v10 =	vld [tilespmem:s14+$0xFFFFFF40]  }
0xaf: {  	v2 =	vld.idx.msk [tilespmem:v13+s16+$0x0], $0xffff  }
0xb0: {  	v13 =	vld [tilespmem:s13+$0xFFFFFF00];
	v8 =	vmul.f32 v8, v7  }
0xb1: {  	v14 =	vld [tilespmem:s13+$0xFFFFFF80];
	v12 =	vmul.f32 v12, v4  }
0xb2: {  	v15 =	vld [tilespmem:s13+$0x80];
	v9 =	vmul.f32 v9, v6;
	[tilespmem:s14+$0x40] =	vst v8  }
0xb3: {  	[tilespmem:s28+$0xB0] =	vst v12;
	v8 =	vmul.f32 v10, v5;
	v10 =	vld [tilespmem:s28+$0x40]  }
0xb4: {  	[tilespmem:s14+$0xFFFFFFC0] =	vst v9;
	v9 =	vld [tilespmem:s14+$0xC0];
	v11 =	vmul.f32 v11, v2  }
0xb5: {  	[tilespmem:s14+$0xFFFFFF40] =	vst v8;
	v8 =	vmul.f32 v13, v1;
	v12 =	vld [tilespmem:s28+$0xFFFFFFC0]  }
0xb6: {  	s26 =	sadd.s32 $0x200, s28;
	v13 =	vmul.f32 v14, v3;
	[tilespmem:s13+$0x0] =	vst v11;
	v11 =	vld [tilespmem:s28+$0xFFFFFF40]  }
0xb7: {  	v14 =	vmul.f32 v15, v0;
	[tilespmem:s13+$0xFFFFFF00] =	vst v8;
	v8 =	vld [tilespmem:s26+$0x0]  }
0xb8: {  	[tilespmem:s13+$0xFFFFFF80] =	vst v13;
	v15 =	vld [tilespmem:s26+$0xFFFFFF00];
	v10 =	vmul.f32 v10, v7  }
0xb9: {  	[tilespmem:s13+$0x80] =	vst v14;
	v13 =	vld [tilespmem:s26+$0xFFFFFF80];
	v9 =	vmul.f32 v9, v4  }
0xba: {  	v14 =	vld [tilespmem:s26+$0x80];
	v12 =	vmul.f32 v12, v6;
	[tilespmem:s28+$0x40] =	vst v10  }
0xbb: {  	[tilespmem:s14+$0xC0] =	vst v9;
	v10 =	vmul.f32 v11, v5;
	v11 =	vld [tilespmem:s14+$0x50]  }
0xbc: {  	[tilespmem:s28+$0xFFFFFFC0] =	vst v12;
	v9 =	vld [tilespmem:s28+$0xC0];
	v8 =	vmul.f32 v8, v2  }
0xbd: {  	v12 =	vmul.f32 v15, v1;
	[tilespmem:s28+$0xFFFFFF40] =	vst v10;
	v10 =	vld [tilespmem:s14+$0xFFFFFFD0]  }
0xbe: {  	v13 =	vmul.f32 v13, v3;
	[tilespmem:s26+$0x0] =	vst v8;
	v8 =	vld [tilespmem:s14+$0xFFFFFF50]  }
0xbf: {  	v14 =	vmul.f32 v14, v0;
	[tilespmem:s26+$0xFFFFFF00] =	vst v12;
	v12 =	vld [tilespmem:s13+$0x10]  }
0xc0: {  	[tilespmem:s26+$0xFFFFFF80] =	vst v13;
	v15 =	vld [tilespmem:s13+$0xFFFFFF10];
	v11 =	vmul.f32 v11, v7  }
0xc1: {  	[tilespmem:s26+$0x80] =	vst v14;
	v13 =	vld [tilespmem:s13+$0xFFFFFF90];
	v9 =	vmul.f32 v9, v4  }
0xc2: {  	v14 =	vld [tilespmem:s13+$0x90];
	v10 =	vmul.f32 v10, v6;
	[tilespmem:s14+$0x50] =	vst v11  }
0xc3: {  	[tilespmem:s28+$0xC0] =	vst v9;
	v8 =	vmul.f32 v8, v5;
	v11 =	vld [tilespmem:s28+$0x50]  }
0xc4: {  	v9 =	vmul.f32 v12, v2;
	[tilespmem:s14+$0xFFFFFFD0] =	vst v10;
	v10 =	vld [tilespmem:s14+$0xD0]  }
0xc5: {  	v12 =	vmul.f32 v15, v1;
	[tilespmem:s14+$0xFFFFFF50] =	vst v8;
	v8 =	vld [tilespmem:s28+$0xFFFFFFD0]  }
0xc6: {  	v13 =	vmul.f32 v13, v3;
	[tilespmem:s13+$0x10] =	vst v9;
	v9 =	vld [tilespmem:s28+$0xFFFFFF50]  }
0xc7: {  	v14 =	vmul.f32 v14, v0;
	[tilespmem:s13+$0xFFFFFF10] =	vst v12;
	v12 =	vld [tilespmem:s26+$0x10]  }
0xc8: {  	[tilespmem:s13+$0xFFFFFF90] =	vst v13;
	v15 =	vld [tilespmem:s26+$0xFFFFFF10];
	v11 =	vmul.f32 v11, v7  }
0xc9: {  	[tilespmem:s13+$0x90] =	vst v14;
	v13 =	vld [tilespmem:s26+$0xFFFFFF90];
	v10 =	vmul.f32 v10, v4  }
0xca: {  	v14 =	vld [tilespmem:s26+$0x90];
	v8 =	vmul.f32 v8, v6;
	[tilespmem:s28+$0x50] =	vst v11  }
0xcb: {  	v9 =	vmul.f32 v9, v5;
	v11 =	vld [tilespmem:s14+$0x60];
	[tilespmem:s14+$0xD0] =	vst v10  }
0xcc: {  	v10 =	vmul.f32 v12, v2;
	[tilespmem:s28+$0xFFFFFFD0] =	vst v8;
	v8 =	vld [tilespmem:s28+$0xD0]  }
0xcd: {  	v12 =	vmul.f32 v15, v1;
	[tilespmem:s28+$0xFFFFFF50] =	vst v9;
	v9 =	vld [tilespmem:s14+$0xFFFFFFE0]  }
0xce: {  	v13 =	vmul.f32 v13, v3;
	[tilespmem:s26+$0x10] =	vst v10;
	v10 =	vld [tilespmem:s14+$0xFFFFFF60]  }
0xcf: {  	v14 =	vmul.f32 v14, v0;
	[tilespmem:s26+$0xFFFFFF10] =	vst v12;
	v12 =	vld [tilespmem:s13+$0x20]  }
0xd0: {  	[tilespmem:s26+$0xFFFFFF90] =	vst v13;
	v15 =	vld [tilespmem:s13+$0xFFFFFF20];
	v11 =	vmul.f32 v11, v7  }
0xd1: {  	[tilespmem:s26+$0x90] =	vst v14;
	v13 =	vld [tilespmem:s13+$0xFFFFFFA0];
	v8 =	vmul.f32 v8, v4  }
0xd2: {  	v14 =	vld [tilespmem:s13+$0xA0];
	v9 =	vmul.f32 v9, v6;
	[tilespmem:s14+$0x60] =	vst v11  }
0xd3: {  	v10 =	vmul.f32 v10, v5;
	v11 =	vld [tilespmem:s28+$0x60];
	[tilespmem:s28+$0xD0] =	vst v8  }
0xd4: {  	v8 =	vmul.f32 v12, v2;
	[tilespmem:s14+$0xFFFFFFE0] =	vst v9;
	v9 =	vld [tilespmem:s14+$0xE0]  }
0xd5: {  	v12 =	vmul.f32 v15, v1;
	[tilespmem:s14+$0xFFFFFF60] =	vst v10;
	v10 =	vld [tilespmem:s28+$0xFFFFFFE0]  }
0xd6: {  	v13 =	vmul.f32 v13, v3;
	[tilespmem:s13+$0x20] =	vst v8;
	v8 =	vld [tilespmem:s28+$0xFFFFFF60]  }
0xd7: {  	v14 =	vmul.f32 v14, v0;
	[tilespmem:s13+$0xFFFFFF20] =	vst v12;
	v12 =	vld [tilespmem:s26+$0x20]  }
0xd8: {  	[tilespmem:s13+$0xFFFFFFA0] =	vst v13;
	v15 =	vld [tilespmem:s26+$0xFFFFFF20];
	v11 =	vmul.f32 v11, v7  }
0xd9: {  	[tilespmem:s13+$0xA0] =	vst v14;
	v13 =	vld [tilespmem:s26+$0xFFFFFFA0];
	v9 =	vmul.f32 v9, v4  }
0xda: {  	v14 =	vld [tilespmem:s26+$0xA0];
	v10 =	vmul.f32 v10, v6;
	[tilespmem:s28+$0x60] =	vst v11  }
0xdb: {  	v8 =	vmul.f32 v8, v5;
	v11 =	vld [tilespmem:s14+$0x70];
	[tilespmem:s14+$0xE0] =	vst v9  }
0xdc: {  	v9 =	vmul.f32 v12, v2;
	[tilespmem:s28+$0xFFFFFFE0] =	vst v10;
	v10 =	vld [tilespmem:s28+$0xE0]  }
0xdd: {  	v12 =	vmul.f32 v15, v1;
	[tilespmem:s28+$0xFFFFFF60] =	vst v8;
	v8 =	vld [tilespmem:s14+$0xFFFFFFF0]  }
0xde: {  	v13 =	vmul.f32 v13, v3;
	[tilespmem:s26+$0x20] =	vst v9;
	v9 =	vld [tilespmem:s14+$0xFFFFFF70]  }
0xdf: {  	v14 =	vmul.f32 v14, v0;
	[tilespmem:s26+$0xFFFFFF20] =	vst v12;
	v12 =	vld [tilespmem:s13+$0x30]  }
0xe0: {  	[tilespmem:s26+$0xFFFFFFA0] =	vst v13;
	v15 =	vld [tilespmem:s13+$0xFFFFFF30];
	v11 =	vmul.f32 v11, v7  }
0xe1: {  	[tilespmem:s26+$0xA0] =	vst v14;
	v13 =	vld [tilespmem:s13+$0xFFFFFFB0];
	v10 =	vmul.f32 v10, v4  }
0xe2: {  	v8 =	vmul.f32 v8, v6;
	[tilespmem:s14+$0x70] =	vst v11  }
0xe3: {  	v16 =	vld [tilespmem:s13+$0xB0];
	v9 =	vmul.f32 v9, v5;
	[tilespmem:s28+$0xE0] =	vst v10  }
0xe4: {  	s18 =	simm.s32 $0x8;
	s17 =	simm.s32 $0x9;
	v17 =	vld [tilespmem:s28+$0x70];
	v10 =	vmul.f32 v12, v2;
	[tilespmem:s14+$0xFFFFFFF0] =	vst v8  }
0xe5: {  	v11 =	vmov s17;
	v18 =	vld [tilespmem:s14+$0xF0];
	v8 =	vmul.f32 v15, v1;
	[tilespmem:s14+$0xFFFFFF70] =	vst v9;
	v9 =	vmov s18  }
0xe6: {  	s19 =	simm.s32 $0xB;
	v13 =	vmul.f32 v13, v3;
	v12 =	vld [tilespmem:s28+$0xFFFFFFF0];
	[tilespmem:s13+$0x30] =	vst v10;
	v9 =	vand.u32 $0xFFFFFFFC, v9;
	v10 =	vand.u32 $0xFFFFFFFD, v11  }
0xe7: {  	v14 =	vld [tilespmem:s28+$0xFFFFFF70];
	[tilespmem:s13+$0xFFFFFF30] =	vst v8;
	v8 =	vbroadcast v9, $0x0;
	v9 =	vbroadcast v10, $0x0;
	v10 =	vmov s19  }
0xe8: {  	v16 =	vmul.f32 v16, v0;
	v15 =	vld [tilespmem:s26+$0x30]  }
0xe9: {  	[tilespmem:s13+$0xFFFFFFB0] =	vst v13;
	v11 =	vld [tilespmem:s26+$0xFFFFFF30];
	v17 =	vmul.f32 v17, v7  }
0xea: {  	s15 =	smul.u32 $0x1400, s12;
	s17 =	simm.s32 $0xC;
	s18 =	simm.s32 $0xA;
	[tilespmem:s13+$0xB0] =	vst v16;
	v13 =	vld [tilespmem:s26+$0xFFFFFFB0];
	v16 =	vmul.f32 v18, v4  }
.LBB2_3:
0xeb: {  	p1 =	slt.u32 s17, $0x24;
	v7 =	vmov s18;
	v18 =	vld [tilespmem:s26+$0xB0];
	v12 =	vmul.f32 v12, v6;
	[tilespmem:s28+$0x70] =	vst v17;
	v6 =	vmov v3  }
0xec: {  	v3 =	vand.u32 $0xFFFFFFFE, v7;
	v7 =	vld.idx.msk [tilespmem:v10+s16+$0x0], $0xffff;
	v10 =	vmul.f32 v14, v5;
	[tilespmem:s14+$0xF0] =	vst v16;
	v5 =	vmov v1;
	s14 =	smov.u32 s13  }
0xed: {  	v14 =	vbroadcast v3, $0x0;
	v15 =	vmul.f32 v15, v2;
	[tilespmem:s28+$0xFFFFFFF0] =	vst v12;
	v12 =	vld [tilespmem:s28+$0xF0]  }
0xee: {  	v1 =	vld.idx.msk [tilespmem:v8+s16+$0x0], $0xffff;
	v8 =	vmul.f32 v11, v5;
	[tilespmem:s28+$0xFFFFFF70] =	vst v10  }
0xef: {  	v3 =	vld.idx.msk [tilespmem:v9+s16+$0x0], $0xffff;
	v9 =	vmul.f32 v13, v6;
	[tilespmem:s26+$0x30] =	vst v15  }
0xf0: {  	[tilespmem:s26+$0xFFFFFF30] =	vst v8;
	v8 =	vld [tilespmem:s13+$0x40];
	v10 =	vmul.f32 v18, v0  }
0xf1: {  	v11 =	vld [tilespmem:s13+$0xFFFFFF40];
	[tilespmem:s26+$0xFFFFFFB0] =	vst v9  }
0xf2: {  	v9 =	vld [tilespmem:s13+$0xFFFFFFC0];
	[tilespmem:s26+$0xB0] =	vst v10;
	v10 =	vmul.f32 v12, v4;
	v4 =	vmov v0;
	v0 =	vmov v7  }
0xf3: {  	s13 =	sadd.s32 $0x200, s13;
	v7 =	vld.idx.msk [tilespmem:v14+s16+$0x0], $0xffff  }
0xf4: {  	v12 =	vld [tilespmem:s13+$0x0];
	[tilespmem:s28+$0xF0] =	vst v10;
	s28 =	smov.u32 s26  }
0xf5: {  	v10 =	vld [tilespmem:s13+$0xFFFFFF00];
	v8 =	vmul.f32 v8, v2  }
0xf6: {  	v13 =	vld [tilespmem:s13+$0xFFFFFF80];
	v11 =	vmul.f32 v11, v5  }
0xf7: {  	v14 =	vld [tilespmem:s13+$0x80];
	v9 =	vmul.f32 v9, v6;
	[tilespmem:s14+$0x40] =	vst v8  }
0xf8: {  	[tilespmem:s14+$0xFFFFFF40] =	vst v11;
	v8 =	vld [tilespmem:s26+$0x40]  }
0xf9: {  	v11 =	vmul.f32 v12, v7;
	[tilespmem:s14+$0xFFFFFFC0] =	vst v9;
	v9 =	vld [tilespmem:s14+$0xC0]  }
0xfa: {  	v10 =	vmul.f32 v10, v1;
	v12 =	vld [tilespmem:s26+$0xFFFFFFC0]  }
0xfb: {  	s26 =	sadd.s32 $0x200, s26;
	v13 =	vmul.f32 v13, v3;
	[tilespmem:s13+$0x0] =	vst v11;
	v11 =	vld [tilespmem:s28+$0xFFFFFF40]  }
0xfc: {  	[tilespmem:s13+$0xFFFFFF00] =	vst v10;
	v10 =	vld [tilespmem:s26+$0x0];
	v14 =	vmul.f32 v14, v0  }
0xfd: {  	v15 =	vld [tilespmem:s26+$0xFFFFFF00];
	[tilespmem:s13+$0xFFFFFF80] =	vst v13;
	v8 =	vmul.f32 v8, v2  }
0xfe: {  	v13 =	vld [tilespmem:s26+$0xFFFFFF80];
	[tilespmem:s13+$0x80] =	vst v14;
	v9 =	vmul.f32 v9, v4  }
0xff: {  	v14 =	vld [tilespmem:s26+$0x80];
	v12 =	vmul.f32 v12, v6;
	[tilespmem:s28+$0x40] =	vst v8  }
0x100: {  	v8 =	vmul.f32 v11, v5;
	v11 =	vld [tilespmem:s14+$0x50];
	[tilespmem:s14+$0xC0] =	vst v9  }
0x101: {  	v9 =	vmul.f32 v10, v7;
	[tilespmem:s28+$0xFFFFFFC0] =	vst v12;
	v10 =	vld [tilespmem:s28+$0xC0]  }
0x102: {  	v12 =	vmul.f32 v15, v1;
	[tilespmem:s28+$0xFFFFFF40] =	vst v8;
	v8 =	vld [tilespmem:s14+$0xFFFFFFD0]  }
0x103: {  	v13 =	vmul.f32 v13, v3;
	[tilespmem:s26+$0x0] =	vst v9;
	v9 =	vld [tilespmem:s14+$0xFFFFFF50]  }
0x104: {  	[tilespmem:s26+$0xFFFFFF00] =	vst v12;
	v12 =	vld [tilespmem:s13+$0x10];
	v14 =	vmul.f32 v14, v0  }
0x105: {  	v15 =	vld [tilespmem:s13+$0xFFFFFF10];
	[tilespmem:s26+$0xFFFFFF80] =	vst v13;
	v11 =	vmul.f32 v11, v2  }
0x106: {  	v13 =	vld [tilespmem:s13+$0xFFFFFF90];
	[tilespmem:s26+$0x80] =	vst v14;
	v10 =	vmul.f32 v10, v4  }
0x107: {  	v14 =	vld [tilespmem:s13+$0x90];
	v8 =	vmul.f32 v8, v6;
	[tilespmem:s14+$0x50] =	vst v11  }
0x108: {  	v9 =	vmul.f32 v9, v5;
	v11 =	vld [tilespmem:s28+$0x50];
	[tilespmem:s28+$0xC0] =	vst v10  }
0x109: {  	v10 =	vmul.f32 v12, v7;
	[tilespmem:s14+$0xFFFFFFD0] =	vst v8;
	v8 =	vld [tilespmem:s14+$0xD0]  }
0x10a: {  	v12 =	vmul.f32 v15, v1;
	[tilespmem:s14+$0xFFFFFF50] =	vst v9;
	v9 =	vld [tilespmem:s28+$0xFFFFFFD0]  }
0x10b: {  	v13 =	vmul.f32 v13, v3;
	[tilespmem:s13+$0x10] =	vst v10;
	v10 =	vld [tilespmem:s28+$0xFFFFFF50]  }
0x10c: {  	[tilespmem:s13+$0xFFFFFF10] =	vst v12;
	v12 =	vld [tilespmem:s26+$0x10];
	v14 =	vmul.f32 v14, v0  }
0x10d: {  	v15 =	vld [tilespmem:s26+$0xFFFFFF10];
	[tilespmem:s13+$0xFFFFFF90] =	vst v13;
	v11 =	vmul.f32 v11, v2  }
0x10e: {  	v13 =	vld [tilespmem:s26+$0xFFFFFF90];
	[tilespmem:s13+$0x90] =	vst v14;
	v8 =	vmul.f32 v8, v4  }
0x10f: {  	v14 =	vld [tilespmem:s26+$0x90];
	v9 =	vmul.f32 v9, v6;
	[tilespmem:s28+$0x50] =	vst v11  }
0x110: {  	v10 =	vmul.f32 v10, v5;
	v11 =	vld [tilespmem:s14+$0x60];
	[tilespmem:s14+$0xD0] =	vst v8  }
0x111: {  	v8 =	vmul.f32 v12, v7;
	[tilespmem:s28+$0xFFFFFFD0] =	vst v9;
	v9 =	vld [tilespmem:s28+$0xD0]  }
0x112: {  	v12 =	vmul.f32 v15, v1;
	[tilespmem:s28+$0xFFFFFF50] =	vst v10;
	v10 =	vld [tilespmem:s14+$0xFFFFFFE0]  }
0x113: {  	v13 =	vmul.f32 v13, v3;
	[tilespmem:s26+$0x10] =	vst v8;
	v8 =	vld [tilespmem:s14+$0xFFFFFF60]  }
0x114: {  	[tilespmem:s26+$0xFFFFFF10] =	vst v12;
	v12 =	vld [tilespmem:s13+$0x20];
	v14 =	vmul.f32 v14, v0  }
0x115: {  	v15 =	vld [tilespmem:s13+$0xFFFFFF20];
	[tilespmem:s26+$0xFFFFFF90] =	vst v13;
	v11 =	vmul.f32 v11, v2  }
0x116: {  	v13 =	vld [tilespmem:s13+$0xFFFFFFA0];
	[tilespmem:s26+$0x90] =	vst v14;
	v9 =	vmul.f32 v9, v4  }
0x117: {  	v14 =	vld [tilespmem:s13+$0xA0];
	v10 =	vmul.f32 v10, v6;
	[tilespmem:s14+$0x60] =	vst v11  }
0x118: {  	v8 =	vmul.f32 v8, v5;
	v11 =	vld [tilespmem:s28+$0x60];
	[tilespmem:s28+$0xD0] =	vst v9  }
0x119: {  	v9 =	vmul.f32 v12, v7;
	[tilespmem:s14+$0xFFFFFFE0] =	vst v10;
	v10 =	vld [tilespmem:s14+$0xE0]  }
0x11a: {  	v12 =	vmul.f32 v15, v1;
	[tilespmem:s14+$0xFFFFFF60] =	vst v8;
	v8 =	vld [tilespmem:s28+$0xFFFFFFE0]  }
0x11b: {  	v13 =	vmul.f32 v13, v3;
	[tilespmem:s13+$0x20] =	vst v9;
	v9 =	vld [tilespmem:s28+$0xFFFFFF60]  }
0x11c: {  	[tilespmem:s13+$0xFFFFFF20] =	vst v12;
	v12 =	vld [tilespmem:s26+$0x20];
	v14 =	vmul.f32 v14, v0  }
0x11d: {  	v15 =	vld [tilespmem:s26+$0xFFFFFF20];
	[tilespmem:s13+$0xFFFFFFA0] =	vst v13;
	v11 =	vmul.f32 v11, v2  }
0x11e: {  	v13 =	vld [tilespmem:s26+$0xFFFFFFA0];
	[tilespmem:s13+$0xA0] =	vst v14;
	v10 =	vmul.f32 v10, v4  }
0x11f: {  	v14 =	vld [tilespmem:s26+$0xA0];
	v8 =	vmul.f32 v8, v6;
	[tilespmem:s28+$0x60] =	vst v11  }
0x120: {  	v9 =	vmul.f32 v9, v5;
	v11 =	vld [tilespmem:s14+$0x70];
	[tilespmem:s14+$0xE0] =	vst v10  }
0x121: {  	v10 =	vmul.f32 v12, v7;
	[tilespmem:s28+$0xFFFFFFE0] =	vst v8;
	v8 =	vld [tilespmem:s28+$0xE0]  }
0x122: {  	v12 =	vmul.f32 v15, v1;
	[tilespmem:s28+$0xFFFFFF60] =	vst v9;
	v9 =	vld [tilespmem:s14+$0xFFFFFFF0]  }
0x123: {  	v13 =	vmul.f32 v13, v3;
	[tilespmem:s26+$0x20] =	vst v10;
	v10 =	vld [tilespmem:s14+$0xFFFFFF70]  }
0x124: {  	[tilespmem:s26+$0xFFFFFF20] =	vst v12;
	v12 =	vld [tilespmem:s13+$0x30];
	v14 =	vmul.f32 v14, v0  }
0x125: {  	v15 =	vld [tilespmem:s13+$0xFFFFFF30];
	[tilespmem:s26+$0xFFFFFFA0] =	vst v13;
	v11 =	vmul.f32 v11, v2  }
0x126: {  	v13 =	vld [tilespmem:s13+$0xFFFFFFB0];
	[tilespmem:s26+$0xA0] =	vst v14;
	v8 =	vmul.f32 v8, v4  }
0x127: {  	v16 =	vld [tilespmem:s13+$0xB0];
	v9 =	vmul.f32 v9, v6;
	[tilespmem:s14+$0x70] =	vst v11  }
0x128: {  	v11 =	vmul.f32 v10, v5;
	v17 =	vld [tilespmem:s28+$0x70];
	[tilespmem:s28+$0xE0] =	vst v8  }
0x129: {  	s18 =	sadd.s32 $0x3, s17;
	v8 =	vmul.f32 v12, v7;
	[tilespmem:s14+$0xFFFFFFF0] =	vst v9;
	v18 =	vld [tilespmem:s14+$0xF0]  }
.Ltmp0:
0x12a: {  	s19 =	sadd.s32 $0x1, s17;
	v10 =	vmov s18;
	v9 =	vmov s17;
	v15 =	vmul.f32 v15, v1;
	[tilespmem:s14+$0xFFFFFF70] =	vst v11;
	v12 =	vld [tilespmem:s28+$0xFFFFFFF0];
	(pc) =	sbr.rel @p1 .LBB2_3-.Ltmp0, $4  }
0x12b: {  	v9 =	vand.u32 $0xFFFFFFFC, v9;
	v11 =	vmov s19;
	v13 =	vmul.f32 v13, v3;
	[tilespmem:s13+$0x30] =	vst v8;
	v14 =	vld [tilespmem:s28+$0xFFFFFF70]  }
0x12c: {  	v8 =	vbroadcast v9, $0x0;
	v9 =	vand.u32 $0xFFFFFFFD, v11;
	[tilespmem:s13+$0xFFFFFF30] =	vst v15;
	v15 =	vld [tilespmem:s26+$0x30];
	v16 =	vmul.f32 v16, v0  }
0x12d: {  	v9 =	vbroadcast v9, $0x0;
	v11 =	vld [tilespmem:s26+$0xFFFFFF30];
	[tilespmem:s13+$0xFFFFFFB0] =	vst v13;
	v17 =	vmul.f32 v17, v2;
	v2 =	vmov v7  }
0x12e: {  	s18 =	sadd.s32 $0x2, s17;
	s17 =	sadd.s32 $0x4, s17;
	v13 =	vld [tilespmem:s26+$0xFFFFFFB0];
	[tilespmem:s13+$0xB0] =	vst v16;
	v16 =	vmul.f32 v18, v4  }
0x12f: {  	_ =	sdelay $0x2  }
0x130: {  	v7 =	vmov s18  }
0x131: {  	v8 =	vld.idx.msk [tilespmem:v8+s16+$0x0], $0xffff;
	v7 =	vand.u32 $0xFFFFFFFE, v7  }
0x132: {  	v9 =	vld.idx.msk [tilespmem:v9+s16+$0x0], $0xffff;
	s17 =	sadd.s32 $0x200, s13;
	v18 =	vbroadcast v7, $0x0  }
0x133: {  	v35 =	vld [tilespmem:s17+$0x0]  }
0x134: {  	v19 =	vld [tilespmem:s17+$0xFFFFFF80]  }
0x135: {  	v20 =	vld [tilespmem:s17+$0xFFFFFF00]  }
0x136: {  	v21 =	vld [tilespmem:s17+$0x80]  }
0x137: {  	v7 =	vld.idx.msk [tilespmem:v10+s16+$0x0], $0xffff  }
0x138: {  	v10 =	vld.idx.msk [tilespmem:v18+s16+$0x0], $0xffff;
	_ =	sdelay $0x1  }
0x139: {  	v19 =	vmul.f32 v19, v9  }
0x13a: {  	v20 =	vmul.f32 v20, v8  }
0x13b: {  	s19 =	sadd.s32 $0x200, s26;
	v21 =	vmul.f32 v21, v7;
	[tilespmem:s17+$0xFFFFFF80] =	vst v19  }
0x13c: {  	[tilespmem:s17+$0xFFFFFF00] =	vst v20;
	v19 =	vld [tilespmem:s19+$0xFFFFFF80];
	v18 =	vmul.f32 v35, v10  }
0x13d: {  	v20 =	vld [tilespmem:s19+$0xFFFFFF00];
	[tilespmem:s17+$0x80] =	vst v21  }
0x13e: {  	v21 =	vld [tilespmem:s19+$0x80];
	[tilespmem:s17+$0x0] =	vst v18  }
0x13f: {  	v18 =	vld [tilespmem:s19+$0x0];
	_ =	sdelay $0x1  }
0x140: {  	v19 =	vmul.f32 v19, v9  }
0x141: {  	v20 =	vmul.f32 v20, v8  }
0x142: {  	v21 =	vmul.f32 v21, v7;
	[tilespmem:s19+$0xFFFFFF80] =	vst v19  }
0x143: {  	[tilespmem:s19+$0xFFFFFF00] =	vst v20;
	v19 =	vld [tilespmem:s17+$0xFFFFFF90];
	v18 =	vmul.f32 v18, v10  }
0x144: {  	v20 =	vld [tilespmem:s17+$0xFFFFFF10];
	[tilespmem:s19+$0x80] =	vst v21  }
0x145: {  	v21 =	vld [tilespmem:s17+$0x90];
	[tilespmem:s19+$0x0] =	vst v18  }
0x146: {  	v18 =	vld [tilespmem:s17+$0x10];
	_ =	sdelay $0x1  }
0x147: {  	v19 =	vmul.f32 v19, v9  }
0x148: {  	v20 =	vmul.f32 v20, v8  }
0x149: {  	v21 =	vmul.f32 v21, v7;
	[tilespmem:s17+$0xFFFFFF90] =	vst v19  }
0x14a: {  	[tilespmem:s17+$0xFFFFFF10] =	vst v20;
	v19 =	vld [tilespmem:s19+$0xFFFFFF90];
	v18 =	vmul.f32 v18, v10  }
0x14b: {  	v20 =	vld [tilespmem:s19+$0xFFFFFF10];
	[tilespmem:s17+$0x90] =	vst v21  }
0x14c: {  	v21 =	vld [tilespmem:s19+$0x90];
	[tilespmem:s17+$0x10] =	vst v18  }
0x14d: {  	v18 =	vld [tilespmem:s19+$0x10];
	_ =	sdelay $0x1  }
0x14e: {  	v19 =	vmul.f32 v19, v9  }
0x14f: {  	v20 =	vmul.f32 v20, v8  }
0x150: {  	v21 =	vmul.f32 v21, v7;
	[tilespmem:s19+$0xFFFFFF90] =	vst v19  }
0x151: {  	[tilespmem:s19+$0xFFFFFF10] =	vst v20;
	v19 =	vld [tilespmem:s17+$0xFFFFFFA0];
	v18 =	vmul.f32 v18, v10  }
0x152: {  	v20 =	vld [tilespmem:s17+$0xFFFFFF20];
	[tilespmem:s19+$0x90] =	vst v21  }
0x153: {  	v21 =	vld [tilespmem:s17+$0xA0];
	[tilespmem:s19+$0x10] =	vst v18  }
0x154: {  	v18 =	vld [tilespmem:s17+$0x20];
	_ =	sdelay $0x1  }
0x155: {  	v19 =	vmul.f32 v19, v9  }
0x156: {  	v20 =	vmul.f32 v20, v8  }
0x157: {  	v21 =	vmul.f32 v21, v7;
	[tilespmem:s17+$0xFFFFFFA0] =	vst v19  }
0x158: {  	[tilespmem:s17+$0xFFFFFF20] =	vst v20;
	v19 =	vld [tilespmem:s19+$0xFFFFFFA0];
	v18 =	vmul.f32 v18, v10  }
0x159: {  	v20 =	vld [tilespmem:s19+$0xFFFFFF20];
	[tilespmem:s17+$0xA0] =	vst v21  }
0x15a: {  	v21 =	vld [tilespmem:s19+$0xA0];
	[tilespmem:s17+$0x20] =	vst v18  }
0x15b: {  	v18 =	vld [tilespmem:s19+$0x20];
	_ =	sdelay $0x1  }
0x15c: {  	v36 =	vmul.f32 v19, v9  }
0x15d: {  	[tilespmem:s28+$0x70] =	vst v17;
	v37 =	vmul.f32 v20, v8  }
0x15e: {  	v39 =	vmul.f32 v21, v7;
	[tilespmem:s19+$0xFFFFFFA0] =	vst v36  }
0x15f: {  	[tilespmem:s19+$0xFFFFFF20] =	vst v37;
	v40 =	vld [tilespmem:s17+$0xFFFFFFB0];
	v18 =	vmul.f32 v18, v10  }
0x160: {  	[tilespmem:s19+$0xA0] =	vst v39;
	v41 =	vld [tilespmem:s17+$0xFFFFFF30]  }
0x161: {  	v6 =	vmul.f32 v12, v6;
	v42 =	vld [tilespmem:s17+$0xB0];
	[tilespmem:s19+$0x20] =	vst v18  }
0x162: {  	v5 =	vmul.f32 v14, v5;
	[tilespmem:s14+$0xF0] =	vst v16;
	v38 =	vld [tilespmem:s17+$0x30]  }
0x163: {  	v15 =	vmul.f32 v15, v2;
	[tilespmem:s28+$0xFFFFFFF0] =	vst v6  }
0x164: {  	[tilespmem:s28+$0xFFFFFF70] =	vst v5;
	v45 =	vmul.f32 v40, v9  }
0x165: {  	v44 =	vld [tilespmem:s26+$0xB0];
	[tilespmem:s26+$0x30] =	vst v15;
	v12 =	vmul.f32 v41, v8  }
0x166: {  	v16 =	vld [tilespmem:s28+$0xF0];
	v14 =	vmul.f32 v42, v7;
	[tilespmem:s17+$0xFFFFFFB0] =	vst v45  }
0x167: {  	[tilespmem:s17+$0xFFFFFF30] =	vst v12;
	v46 =	vld [tilespmem:s19+$0xFFFFFFB0];
	v43 =	vmul.f32 v38, v10  }
0x168: {  	v11 =	vmul.f32 v11, v1;
	v47 =	vld [tilespmem:s19+$0xFFFFFF30];
	[tilespmem:s17+$0xB0] =	vst v14  }
0x169: {  	v13 =	vmul.f32 v13, v3;
	v48 =	vld [tilespmem:s19+$0xB0];
	[tilespmem:s17+$0x30] =	vst v43  }
0x16a: {  	[tilespmem:s26+$0xFFFFFF30] =	vst v11;
	v6 =	vmul.f32 v44, v0;
	v5 =	vld [tilespmem:s19+$0x30]  }
0x16b: {  	[tilespmem:s26+$0xFFFFFFB0] =	vst v13;
	v50 =	vld [tilespmem:s13+$0xFFFFFF40];
	v4 =	vmul.f32 v16, v4  }
0x16c: {  	v49 =	vld [tilespmem:s13+$0x40];
	[tilespmem:s26+$0xB0] =	vst v6;
	v51 =	vmul.f32 v46, v9  }
0x16d: {  	v13 =	vld [tilespmem:s13+$0xFFFFFFC0];
	[tilespmem:s28+$0xF0] =	vst v4;
	v15 =	vmul.f32 v47, v8  }
0x16e: {  	v52 =	vld [tilespmem:s13+$0xC0];
	v11 =	vmul.f32 v48, v7;
	[tilespmem:s19+$0xFFFFFFB0] =	vst v51  }
0x16f: {  	[tilespmem:s19+$0xFFFFFF30] =	vst v15;
	v54 =	vld [tilespmem:s17+$0xFFFFFFC0];
	v5 =	vmul.f32 v5, v10  }
0x170: {  	v6 =	vmul.f32 v50, v1;
	v15 =	vld [tilespmem:s17+$0xFFFFFF40];
	[tilespmem:s19+$0xB0] =	vst v11  }
0x171: {  	v53 =	vmul.f32 v49, v2;
	v55 =	vld [tilespmem:s17+$0xC0];
	[tilespmem:s19+$0x30] =	vst v5  }
0x172: {  	v13 =	vmul.f32 v13, v3;
	[tilespmem:s13+$0xFFFFFF40] =	vst v6;
	v5 =	vld [tilespmem:s17+$0x40]  }
0x173: {  	[tilespmem:s13+$0x40] =	vst v53;
	v58 =	vld [tilespmem:s26+$0xFFFFFF40];
	v12 =	vmul.f32 v52, v0  }
0x174: {  	v56 =	vld [tilespmem:s26+$0x40];
	[tilespmem:s13+$0xFFFFFFC0] =	vst v13;
	v59 =	vmul.f32 v54, v9  }
0x175: {  	v57 =	vld [tilespmem:s26+$0xFFFFFFC0];
	[tilespmem:s13+$0xC0] =	vst v12;
	v15 =	vmul.f32 v15, v8  }
0x176: {  	v60 =	vld [tilespmem:s26+$0xC0];
	v4 =	vmul.f32 v55, v7;
	[tilespmem:s17+$0xFFFFFFC0] =	vst v59  }
0x177: {  	[tilespmem:s17+$0xFFFFFF40] =	vst v15;
	v12 =	vld [tilespmem:s19+$0xFFFFFFC0];
	v5 =	vmul.f32 v5, v10  }
0x178: {  	v61 =	vmul.f32 v58, v1;
	v15 =	vld [tilespmem:s19+$0xFFFFFF40];
	[tilespmem:s17+$0xC0] =	vst v4  }
0x179: {  	v11 =	vmul.f32 v56, v2;
	v62 =	vld [tilespmem:s19+$0xC0];
	[tilespmem:s17+$0x40] =	vst v5  }
0x17a: {  	v6 =	vmul.f32 v57, v3;
	[tilespmem:s26+$0xFFFFFF40] =	vst v61;
	v5 =	vld [tilespmem:s19+$0x40]  }
0x17b: {  	v19 =	vld [tilespmem:s13+$0xFFFFFF50];
	v17 =	vmul.f32 v60, v0;
	[tilespmem:s26+$0x40] =	vst v11  }
0x17c: {  	[tilespmem:s26+$0xFFFFFFC0] =	vst v6;
	v63 =	vld [tilespmem:s13+$0x50];
	v20 =	vmul.f32 v12, v9  }
0x17d: {  	v18 =	vld [tilespmem:s13+$0xFFFFFFD0];
	[tilespmem:s26+$0xC0] =	vst v17;
	v22 =	vmul.f32 v15, v8  }
0x17e: {  	v21 =	vld [tilespmem:s13+$0xD0];
	v24 =	vmul.f32 v62, v7;
	[tilespmem:s19+$0xFFFFFFC0] =	vst v20  }
0x17f: {  	[tilespmem:s19+$0xFFFFFF40] =	vst v22;
	v26 =	vld [tilespmem:s17+$0xFFFFFFD0];
	v5 =	vmul.f32 v5, v10  }
0x180: {  	v28 =	vmul.f32 v19, v1;
	v27 =	vld [tilespmem:s17+$0xFFFFFF50];
	[tilespmem:s19+$0xC0] =	vst v24  }
0x181: {  	v25 =	vmul.f32 v63, v2;
	v29 =	vld [tilespmem:s17+$0xD0];
	[tilespmem:s19+$0x40] =	vst v5  }
0x182: {  	[tilespmem:s13+$0xFFFFFF50] =	vst v28;
	v4 =	vmul.f32 v18, v3;
	v23 =	vld [tilespmem:s17+$0x50]  }
0x183: {  	v34 =	vld [tilespmem:s26+$0xFFFFFF50];
	v31 =	vmul.f32 v21, v0;
	[tilespmem:s13+$0x50] =	vst v25  }
0x184: {  	[tilespmem:s13+$0xFFFFFFD0] =	vst v4;
	v30 =	vld [tilespmem:s26+$0x50];
	v35 =	vmul.f32 v26, v9  }
0x185: {  	[tilespmem:s13+$0xD0] =	vst v31;
	v32 =	vld [tilespmem:s26+$0xFFFFFFD0];
	v37 =	vmul.f32 v27, v8  }
0x186: {  	v36 =	vld [tilespmem:s26+$0xD0];
	v39 =	vmul.f32 v29, v7;
	[tilespmem:s17+$0xFFFFFFD0] =	vst v35  }
0x187: {  	[tilespmem:s17+$0xFFFFFF50] =	vst v37;
	v41 =	vld [tilespmem:s19+$0xFFFFFFD0];
	v33 =	vmul.f32 v23, v10  }
0x188: {  	v43 =	vmul.f32 v34, v1;
	v42 =	vld [tilespmem:s19+$0xFFFFFF50];
	[tilespmem:s17+$0xD0] =	vst v39  }
0x189: {  	v40 =	vmul.f32 v30, v2;
	v44 =	vld [tilespmem:s19+$0xD0];
	[tilespmem:s17+$0x50] =	vst v33  }
0x18a: {  	[tilespmem:s26+$0xFFFFFF50] =	vst v43;
	v6 =	vmul.f32 v32, v3;
	v38 =	vld [tilespmem:s19+$0x50]  }
0x18b: {  	v48 =	vld [tilespmem:s13+$0xFFFFFF60];
	[tilespmem:s26+$0x50] =	vst v40;
	v5 =	vmul.f32 v36, v0  }
0x18c: {  	[tilespmem:s26+$0xFFFFFFD0] =	vst v6;
	v45 =	vld [tilespmem:s13+$0x60];
	v49 =	vmul.f32 v41, v9  }
0x18d: {  	v46 =	vld [tilespmem:s13+$0xFFFFFFE0];
	[tilespmem:s26+$0xD0] =	vst v5;
	v51 =	vmul.f32 v42, v8  }
0x18e: {  	v50 =	vld [tilespmem:s13+$0xE0];
	v53 =	vmul.f32 v44, v7;
	[tilespmem:s19+$0xFFFFFFD0] =	vst v49  }
0x18f: {  	[tilespmem:s19+$0xFFFFFF50] =	vst v51;
	v55 =	vld [tilespmem:s17+$0xFFFFFFE0];
	v47 =	vmul.f32 v38, v10  }
0x190: {  	v57 =	vmul.f32 v48, v1;
	v56 =	vld [tilespmem:s17+$0xFFFFFF60];
	[tilespmem:s19+$0xD0] =	vst v53  }
0x191: {  	v54 =	vmul.f32 v45, v2;
	v58 =	vld [tilespmem:s17+$0xE0];
	[tilespmem:s19+$0x50] =	vst v47  }
0x192: {  	[tilespmem:s13+$0xFFFFFF60] =	vst v57;
	v4 =	vmul.f32 v46, v3;
	v52 =	vld [tilespmem:s17+$0x60]  }
0x193: {  	v63 =	vld [tilespmem:s26+$0xFFFFFF60];
	[tilespmem:s13+$0x60] =	vst v54;
	v60 =	vmul.f32 v50, v0  }
0x194: {  	[tilespmem:s13+$0xFFFFFFE0] =	vst v4;
	v59 =	vld [tilespmem:s26+$0x60];
	v18 =	vmul.f32 v55, v9  }
0x195: {  	v61 =	vld [tilespmem:s26+$0xFFFFFFE0];
	[tilespmem:s13+$0xE0] =	vst v60;
	v20 =	vmul.f32 v56, v8  }
0x196: {  	v19 =	vld [tilespmem:s26+$0xE0];
	v22 =	vmul.f32 v58, v7;
	[tilespmem:s17+$0xFFFFFFE0] =	vst v18  }
0x197: {  	[tilespmem:s17+$0xFFFFFF60] =	vst v20;
	v24 =	vld [tilespmem:s19+$0xFFFFFFE0];
	v62 =	vmul.f32 v52, v10  }
0x198: {  	v26 =	vmul.f32 v63, v1;
	v25 =	vld [tilespmem:s19+$0xFFFFFF60];
	[tilespmem:s17+$0xE0] =	vst v22  }
0x199: {  	v23 =	vmul.f32 v59, v2;
	v27 =	vld [tilespmem:s19+$0xE0];
	[tilespmem:s17+$0x60] =	vst v62  }
0x19a: {  	[tilespmem:s26+$0xFFFFFF60] =	vst v26;
	v5 =	vmul.f32 v61, v3;
	v21 =	vld [tilespmem:s19+$0x60]  }
0x19b: {  	v32 =	vld [tilespmem:s13+$0xFFFFFF70];
	[tilespmem:s26+$0x60] =	vst v23;
	v29 =	vmul.f32 v19, v0  }
0x19c: {  	[tilespmem:s26+$0xFFFFFFE0] =	vst v5;
	v28 =	vld [tilespmem:s13+$0x70];
	v33 =	vmul.f32 v24, v9  }
0x19d: {  	v30 =	vld [tilespmem:s13+$0xFFFFFFF0];
	[tilespmem:s26+$0xE0] =	vst v29;
	v35 =	vmul.f32 v25, v8  }
0x19e: {  	v34 =	vld [tilespmem:s13+$0xF0];
	v37 =	vmul.f32 v27, v7;
	[tilespmem:s19+$0xFFFFFFE0] =	vst v33  }
0x19f: {  	[tilespmem:s19+$0xFFFFFF60] =	vst v35;
	v39 =	vld [tilespmem:s17+$0xFFFFFFF0];
	v31 =	vmul.f32 v21, v10  }
0x1a0: {  	v41 =	vmul.f32 v32, v1;
	v40 =	vld [tilespmem:s17+$0xFFFFFF70];
	[tilespmem:s19+$0xE0] =	vst v37  }
0x1a1: {  	v38 =	vmul.f32 v28, v2;
	v42 =	vld [tilespmem:s17+$0xF0];
	[tilespmem:s19+$0x60] =	vst v31  }
0x1a2: {  	[tilespmem:s13+$0xFFFFFF70] =	vst v41;
	v4 =	vmul.f32 v30, v3;
	v36 =	vld [tilespmem:s17+$0x70]  }
0x1a3: {  	v47 =	vld [tilespmem:s26+$0xFFFFFF70];
	[tilespmem:s13+$0x70] =	vst v38;
	v44 =	vmul.f32 v34, v0  }
0x1a4: {  	[tilespmem:s13+$0xFFFFFFF0] =	vst v4;
	v43 =	vld [tilespmem:s26+$0x70];
	v48 =	vmul.f32 v39, v9  }
0x1a5: {  	v45 =	vld [tilespmem:s26+$0xFFFFFFF0];
	[tilespmem:s13+$0xF0] =	vst v44;
	v50 =	vmul.f32 v40, v8  }
0x1a6: {  	v49 =	vld [tilespmem:s26+$0xF0];
	v52 =	vmul.f32 v42, v7;
	[tilespmem:s17+$0xFFFFFFF0] =	vst v48  }
0x1a7: {  	[tilespmem:s17+$0xFFFFFF70] =	vst v50;
	v54 =	vld [tilespmem:s19+$0xFFFFFFF0];
	v46 =	vmul.f32 v36, v10  }
0x1a8: {  	v57 =	vmul.f32 v47, v1;
	v56 =	vld [tilespmem:s19+$0xFFFFFF70];
	[tilespmem:s17+$0xF0] =	vst v52  }
0x1a9: {  	v53 =	vmul.f32 v43, v2;
	v58 =	vld [tilespmem:s19+$0xF0];
	[tilespmem:s17+$0x70] =	vst v46  }
0x1aa: {  	[tilespmem:s26+$0xFFFFFF70] =	vst v57;
	v55 =	vmul.f32 v45, v3;
	v51 =	vld [tilespmem:s19+$0x70]  }
0x1ab: {  	[tilespmem:s26+$0x70] =	vst v53;
	v59 =	vmul.f32 v49, v0  }
0x1ac: {  	p1 =	slt.u32 s11, $0xF6;
	[tilespmem:s26+$0xFFFFFFF0] =	vst v55;
	v61 =	vmul.f32 v54, v9  }
0x1ad: {  	s13 =	smul.u32 @p1 $0x28, s11;
	[tilespmem:s26+$0xF0] =	vst v59;
	v62 =	vmul.f32 v56, v8  }
0x1ae: {  	v63 =	vmul.f32 v58, v7;
	[tilespmem:s19+$0xFFFFFFF0] =	vst v61  }
0x1af: {  	s14 =	sadd.s32 @p1 s13, s21;
	[tilespmem:s19+$0xFFFFFF70] =	vst v62;
	v60 =	vmul.f32 v51, v10  }
0x1b0: {  	s16 =	sshll.u32 @p1 s12, $0x7;
	s14 =	sshrl.u32 @p1 s14, $0x3;
	[tilespmem:s19+$0xF0] =	vst v63  }
0x1b1: {  	s18 =	sadd.s32 @p1 s5, s14;
	s17 =	sadd.s32 @p1 $0x9, s12;
	[tilespmem:s19+$0x70] =	vst v60;
	s19 =	simm.s32 @p1 $0x0  }
0x1b2: {  	[tilespmem:s16], [sflag:s17] =	stream.linear.gather @p1 [hbm4b:s18+s19], $0x28, $0x38;
	[tilespmem:$0x1DE80] =	vst v63  }
0x1b3: {  	s26 =	sadd.s32 @p1 s7, s14;
	s18 =	sor.u32 @p1 $0x200, s16  }
0x1b4: {  	[tilespmem:s18], [sflag:s17] =	stream.linear.gather @p1 [hbm4b:s26+s19], $0x28, $0x38;
	[tilespmem:$0x1DE80] =	vst v63  }
0x1b5: {  	s14 =	sadd.s32 @p1 s8, s14;
	s16 =	sor.u32 @p1 $0x400, s16;
	s18 =	smul.u32 @!p1 $0x28, s11  }
0x1b6: {  	[tilespmem:s16], [sflag:s17] =	stream.linear.gather @p1 [hbm4b:s14+s19], $0x28, $0x38;
	[tilespmem:$0x1DE80] =	vst v63  }
0x1b7: {  	s11 =	sadd.s32 $0x1, s11;
	s18 =	smov.u32 @p1 s13  }
0x1b8: {  	p1 =	sne.s32 s11, $0xFA;
	s13 =	sadd.s32 s6, s18  }
.Ltmp1:
0x1b9: {  	s13 =	sshll.u32 s13, $0x5;
	(pc) =	sbr.rel @p1 .LBB2_2-.Ltmp1, $4  }
0x1ba: {  	s19 =	sadd.s32 $0x600, s15;
	s18 =	sadd.s32 $0x5, s12;
	s26 =	sadd.s32 s2, s13  }
0x1bb: {  	[hbm4b:s26+s25] =	stream.strided.scatter [tilespmem:s19], [sflag:s18], $0x1400, s1, s25, $0x38;
	[tilespmem:$0x1DE80] =	vst v63  }
0x1bc: {  	s24 =	sadd.s32 $0x1, s24;
	s28 =	sadd.s32 $0x5600, s15;
	s13 =	sadd.s32 s13, s22  }
0x1bd: {  	[hbm4b:s13+s25] =	stream.strided.scatter [tilespmem:s28], [sflag:s18], $0x1400, s1, s25, $0x38;
	[tilespmem:$0x1DE80] =	vst v63  }
0x1be: {  	_ =	swait.ge [sflag:s29], $0x1400  }
0x1bf: {  	[sflag:s29] =	ssyncset.done $0x0  }
0x1c0: {  	[sflag:s29] =	ssyncadd.s32 $0xFFFFEC00  }
0x1c1: {  	_ =	swait.ge [sflag:s29], $0x1400  }
0x1c2: {  	[sflag:s29] =	ssyncset.done $0x0  }
0x1c3: {  	s10 =	sadd.s32 $0x1, s10;
	[sflag:s29] =	ssyncadd.s32 $0xFFFFEC00  }
0x1c4: {  	p1 =	sne.s32 s10, s23;
	_ =	swait.ge [sflag:s9], $0x1400  }
.Ltmp2:
0x1c5: {  	[sflag:s9] =	ssyncset.done $0x0;
	(pc) =	sbr.rel @p1 .LBB2_1-.Ltmp2, $4  }
0x1c6: {  	[sflag:s9] =	ssyncadd.s32 $0xFFFFEC00  }
0x1c7: {  	_ =	swait.ge [sflag:s9], $0x1400  }
0x1c8: {  	[sflag:s9] =	ssyncset.done $0x0  }
0x1c9: {  	[sflag:s9] =	ssyncadd.s32 $0xFFFFEC00  }
0x1ca: {  	_ =	sfence.sel $0x180000  }
0x1cb: {  	[bflag:$0x0] =	sbarrier.arrive $0xFFFF  }
0x1cc: {  	_ =	strace $0x9000004A  }
0x1cd: {  	[bflag:$0x2] =	sbarrier.arrive $0xFFFF  }
0x1ce: {  	s0 =	rddreg [dreg:$0x4]  }
0x1cf: {  	s0 =	sadd.s32 @!p0 $0x100000, s0  }
0x1d0: {  	[sflag:s0] =	ssyncadd.tile.s32 @!p0 $0x1;
	_ =	shalt  }
.Lfunc_end2:
_tile_overlayer_lowered:
.L_overlay_start_2:
0x1d1: {  	(tag) =	ssettag $0x2  }
0x1d2: {  	s0 =	rddreg [dreg:$0x0];
	s2 =	stileid.u32  }
0x1d3: {  	s1 =	rddreg [dreg:$0x1];
	p0 =	sne.s32 s2, $0x0  }
0x1d4: {  	s3 =	rddreg [dreg:$0x2];
	[bflag:$0x3] =	sbarrier.arrive $0xFFFF;
	s2 =	simm.s32 @!p0 $0x1C0D  }
0x1d5: {  	[timem:s3], [sflag:s2] =	dma.local @!p0 [hbm:s0], s1  }
0x1d6: {  	s0 =	simm.s32 @!p0 $0xD  }
0x1d7: {  	_ =	swait.ge @!p0 [sflag:s0], s1  }
0x1d8: {  	s1 =	ssub.s32 @!p0 $0x0, s1;
	[sflag:s0] =	ssyncset.done @!p0 $0x0  }
0x1d9: {  	[sflag:s0] =	ssyncadd.s32 @!p0 s1  }
0x1da: {  	[bflag:$0x3] =	sbarrier.arrive $0xFFFF  }
0x1db: {  	_ =	shalt  }

</sc_bundles>
